<compile_context>
chip_gen: v7x
topology: tpu7x:2x2x1
jax: 0.10.2.dev20260603
libtpu: 0.0.44.dev20260713+nightly
codegen_flags: <defaults>
</compile_context>

<pallas_src>
import functools

import jax
import jax.numpy as jnp
from jax import lax
from jax.experimental import pallas as pl
from jax.experimental.pallas import tpu as pltpu
from jax.experimental.pallas import tpu_sc as plsc

N = 10000
NP = 10240
E = 320000
D = 128
OUT = 10

NC = 2
NS = 16
NW = NC * NS
CH = 128
S = -(-E // (NW * CH))
EP = NW * S * CH
ZR = NP // NS

BLK = 1024
NBLK = NP // BLK

_MESH = plsc.VectorSubcoreMesh(core_axis_name="c", subcore_axis_name="s")
_F32 = jnp.float32
_HIGH = jax.lax.Precision.HIGHEST


@functools.partial(
    pl.kernel,
    out_type=jax.ShapeDtypeStruct((NC, 2, NP), _F32),
    mesh=_MESH,
    scratch_types=[
        pltpu.VMEM((S, CH), jnp.int32),
        pltpu.VMEM((S, CH), jnp.int32),
        pltpu.VMEM((CH,), _F32),
        pltpu.VMEM((ZR,), _F32),
        pltpu.VMEM_SHARED((NP,), _F32),
        pltpu.VMEM_SHARED((NP,), _F32),
    ],
)
def _sc_degrees(src_hbm, dst_hbm, out_hbm, sidx, didx, ones_v, zer_v,
                asrc, adst):
    core = lax.axis_index("c")
    sub = lax.axis_index("s")
    w = core * NS + sub

    @pl.loop(0, CH, step=16)
    def _(i):
        ones_v[pl.ds(i, 16)] = jnp.ones((16,), _F32)

    @pl.loop(0, ZR, step=16)
    def _(i):
        zer_v[pl.ds(i, 16)] = jnp.zeros((16,), _F32)

    pltpu.sync_copy(zer_v, asrc.at[pl.ds(sub * ZR, ZR)])
    pltpu.sync_copy(zer_v, adst.at[pl.ds(sub * ZR, ZR)])
    plsc.subcore_barrier()

    pltpu.sync_copy(src_hbm.at[w], sidx)
    pltpu.sync_copy(dst_hbm.at[w], didx)

    @pl.loop(0, S)
    def _(s):
        pltpu.sync_copy(ones_v, asrc.at[sidx.at[s]], add=True)
        pltpu.sync_copy(ones_v, adst.at[didx.at[s]], add=True)

    plsc.subcore_barrier()
    pltpu.sync_copy(asrc.at[pl.ds(sub * ZR, ZR)],
                    out_hbm.at[core, 0, pl.ds(sub * ZR, ZR)])
    pltpu.sync_copy(adst.at[pl.ds(sub * ZR, ZR)],
                    out_hbm.at[core, 1, pl.ds(sub * ZR, ZR)])


@functools.partial(
    pl.kernel,
    out_type=jax.ShapeDtypeStruct((NC, NP, D), _F32),
    mesh=_MESH,
    scratch_types=[
        pltpu.VMEM((S, CH), jnp.int32),
        pltpu.VMEM((S, CH), jnp.int32),
        pltpu.VMEM((CH, D), _F32),
        pltpu.VMEM((64, D), _F32),
        pltpu.VMEM_SHARED((NP, D), _F32),
    ],
)
def _sc_aggregate(hw_hbm, src_hbm, dst_hbm, out_hbm, sidx, didx,
                  rows, zrows, acc):
    core = lax.axis_index("c")
    sub = lax.axis_index("s")
    w = core * NS + sub

    @pl.loop(0, 64)
    def _(r):
        @pl.loop(0, D, step=16)
        def _(cix):
            zrows[r, pl.ds(cix, 16)] = jnp.zeros((16,), _F32)

    @pl.loop(0, ZR // 64)
    def _(k):
        pltpu.sync_copy(zrows, acc.at[pl.ds(sub * ZR + k * 64, 64)])

    pltpu.sync_copy(src_hbm.at[w], sidx)
    pltpu.sync_copy(dst_hbm.at[w], didx)
    plsc.subcore_barrier()

    @pl.loop(0, S)
    def _(s):
        pltpu.sync_copy(hw_hbm.at[sidx.at[s]], rows)
        pltpu.sync_copy(rows, acc.at[didx.at[s]], add=True)

    plsc.subcore_barrier()
    pltpu.sync_copy(acc.at[pl.ds(sub * ZR, ZR)],
                    out_hbm.at[core, pl.ds(sub * ZR, ZR)])


def _prep_body(cnt_ref, x_ref, w1_ref, hw_ref, dout_ref, sd_ref, din_ref):
    cs = cnt_ref[0, 0] + cnt_ref[1, 0]
    cd = cnt_ref[0, 1] + cnt_ref[1, 1]
    dout = lax.rsqrt(jnp.maximum(cs, 1.0))
    din = lax.rsqrt(jnp.maximum(cd, 1.0))
    dout_ref[...] = dout
    din_ref[...] = din
    sd_ref[...] = dout * din
    xs = x_ref[...] * dout
    hw_ref[...] = jnp.dot(xs, w1_ref[...], precision=_HIGH,
                          preferred_element_type=_F32)


def _layer_body(p_ref, sd_ref, dout_ref, b_ref, w_ref, out_ref):
    agg = p_ref[0] + p_ref[1]
    h = jnp.maximum(agg * sd_ref[...] + b_ref[...] * dout_ref[...], 0.0)
    out_ref[...] = jnp.dot(h, w_ref[...], precision=_HIGH,
                           preferred_element_type=_F32)


def _final_body(p_ref, din_ref, b3_ref, wc1_ref, bc1_ref, wc2_ref, bc2_ref,
                wc3_ref, bc3_ref, out_ref, acc_ref):
    i = pl.program_id(0)

    @pl.when(i == 0)
    def _():
        acc_ref[...] = jnp.zeros_like(acc_ref)

    agg = p_ref[0] + p_ref[1]
    h = jnp.maximum(agg * din_ref[...] + b3_ref[...], 0.0)
    row = lax.broadcasted_iota(jnp.int32, (BLK, 1), 0) + i * BLK
    h = jnp.where(row < N, h, 0.0)
    acc_ref[...] = jnp.maximum(acc_ref[...], jnp.max(h, axis=0, keepdims=True))

    @pl.when(i == NBLK - 1)
    def _():
        hg = acc_ref[...]
        z = jnp.dot(hg, wc1_ref[...], precision=_HIGH,
                    preferred_element_type=_F32) + bc1_ref[...]
        z = jnp.maximum(z, 0.0)
        z = jnp.dot(z, wc2_ref[...], precision=_HIGH,
                    preferred_element_type=_F32) + bc2_ref[...]
        z = jnp.maximum(z, 0.0)
        out_ref[...] = jnp.dot(z, wc3_ref[...], precision=_HIGH,
                               preferred_element_type=_F32) + bc3_ref[...]


def _row_specs(*shapes):
    specs = []
    for shp in shapes:
        if shp == "p":
            specs.append(pl.BlockSpec((NC, BLK, D), lambda i: (0, i, 0)))
        elif shp == "col":
            specs.append(pl.BlockSpec((BLK, 1), lambda i: (i, 0)))
        elif shp == "cnt":
            specs.append(pl.BlockSpec((NC, 2, BLK, 1), lambda i: (0, 0, i, 0)))
        elif shp == "x":
            specs.append(pl.BlockSpec((BLK, D), lambda i: (i, 0)))
        else:
            specs.append(
                pl.BlockSpec(shp, lambda i, r=len(shp): (0,) * r))
    return specs


def _tc_prep(cnt4, xp, W1):
    return pl.pallas_call(
        _prep_body,
        grid=(NBLK,),
        in_specs=_row_specs("cnt", "x", (D, D)),
        out_specs=[
            pl.BlockSpec((BLK, D), lambda i: (i, 0)),
            pl.BlockSpec((BLK, 1), lambda i: (i, 0)),
            pl.BlockSpec((BLK, 1), lambda i: (i, 0)),
            pl.BlockSpec((BLK, 1), lambda i: (i, 0)),
        ],
        out_shape=[
            jax.ShapeDtypeStruct((NP, D), _F32),
            jax.ShapeDtypeStruct((NP, 1), _F32),
            jax.ShapeDtypeStruct((NP, 1), _F32),
            jax.ShapeDtypeStruct((NP, 1), _F32),
        ],
    )(cnt4, xp, W1)


def _tc_layer(p, sd, dout, b, W):
    return pl.pallas_call(
        _layer_body,
        grid=(NBLK,),
        in_specs=_row_specs("p", "col", "col", (1, D), (D, D)),
        out_specs=pl.BlockSpec((BLK, D), lambda i: (i, 0)),
        out_shape=jax.ShapeDtypeStruct((NP, D), _F32),
    )(p, sd, dout, b, W)


def _tc_final(p, din, b3, Wc1, bc1, Wc2p, bc2p, Wc3p, bc3p):
    return pl.pallas_call(
        _final_body,
        grid=(NBLK,),
        in_specs=_row_specs("p", "col", (1, D), (D, D), (1, D), (D, D),
                            (1, D), (D, D), (1, D)),
        out_specs=pl.BlockSpec((1, D), lambda i: (0, 0)),
        out_shape=jax.ShapeDtypeStruct((1, D), _F32),
        scratch_shapes=[pltpu.VMEM((1, D), _F32)],
    )(p, din, b3, Wc1, bc1, Wc2p, bc2p, Wc3p, bc3p)


def kernel(x, edge_index, W1, b1, W2, b2, W3, b3, Wc1, bc1, Wc2, bc2,
           Wc3, bc3):
    src = edge_index[0]
    dst = edge_index[1]
    pad = jnp.full((EP - E,), N, jnp.int32)
    srcp = jnp.concatenate([src, pad]).reshape(NW, S, CH)
    dstp = jnp.concatenate([dst, pad]).reshape(NW, S, CH)
    xp = jnp.pad(x, ((0, NP - N), (0, 0)))

    cnt = _sc_degrees(srcp, dstp)
    cnt4 = cnt.reshape(NC, 2, NP, 1)

    hw1, dout, sd, din = _tc_prep(cnt4, xp, W1)
    p1 = _sc_aggregate(hw1, srcp, dstp)
    hw2 = _tc_layer(p1, sd, dout, b1.reshape(1, D), W2)
    p2 = _sc_aggregate(hw2, srcp, dstp)
    hw3 = _tc_layer(p2, sd, dout, b2.reshape(1, D), W3)
    p3 = _sc_aggregate(hw3, srcp, dstp)

    Wc2p = jnp.pad(Wc2, ((0, 0), (0, D - Wc2.shape[1])))
    bc2p = jnp.pad(bc2, (0, D - bc2.shape[0])).reshape(1, D)
    Wc3p = jnp.pad(Wc3, ((0, D - Wc3.shape[0]), (0, D - Wc3.shape[1])))
    bc3p = jnp.pad(bc3, (0, D - bc3.shape[0])).reshape(1, D)

    logits = _tc_final(p3, din, b3.reshape(1, D), Wc1,
                       bc1.reshape(1, D), Wc2p, bc2p, Wc3p, bc3p)
    return logits[:, :OUT]

# --- scband reference (transcript-rebuilt; emitter-appended) ---
"""Pipeline reference for scband-gnnonly-60249801228685 (READ-ONLY COPY).

The authoritative reference and input builder live on the scoring server;
editing this copy changes nothing except your own understanding.
"""

import jax, jax.numpy as jnp
import numpy as np

N = 10000
E = 320000
D_IN = 128
H = 128
OUT = 10


def setup_inputs(seed: int = 0) -> dict:
    key = jax.random.key(seed)
    ks = jax.random.split(key, 16)
    x = jax.random.normal(ks[0], (N, D_IN), dtype=jnp.float32)
    edge_index = jax.random.randint(ks[1], (2, E), 0, N, dtype=jnp.int32)
    s = 1.0 / np.sqrt(H)
    W1 = jax.random.normal(ks[2], (D_IN, H), dtype=jnp.float32) * (1.0 / np.sqrt(D_IN))
    b1 = jnp.zeros((H,), dtype=jnp.float32)
    W2 = jax.random.normal(ks[3], (H, H), dtype=jnp.float32) * s
    b2 = jnp.zeros((H,), dtype=jnp.float32)
    W3 = jax.random.normal(ks[4], (H, H), dtype=jnp.float32) * s
    b3 = jnp.zeros((H,), dtype=jnp.float32)
    Wc1 = jax.random.normal(ks[5], (H, H), dtype=jnp.float32) * s
    bc1 = jnp.zeros((H,), dtype=jnp.float32)
    Wc2 = jax.random.normal(ks[6], (H, H // 2), dtype=jnp.float32) * s
    bc2 = jnp.zeros((H // 2,), dtype=jnp.float32)
    Wc3 = jax.random.normal(ks[7], (H // 2, OUT), dtype=jnp.float32) * (1.0 / np.sqrt(H // 2))
    bc3 = jnp.zeros((OUT,), dtype=jnp.float32)
    return {"x": x, "edge_index": edge_index, "W1": W1, "b1": b1, "W2": W2, "b2": b2,
            "W3": W3, "b3": b3, "Wc1": Wc1, "bc1": bc1, "Wc2": Wc2, "bc2": bc2,
            "Wc3": Wc3, "bc3": bc3}


def _graph_conv(h, W, b, src, dst):
    # DGL GraphConv with norm='both': D_dst^{-1/2} A D_src^{-1/2} H W + b
    deg_out = jnp.clip(jnp.bincount(src, length=N), 1, None).astype(jnp.float32)
    deg_in = jnp.clip(jnp.bincount(dst, length=N), 1, None).astype(jnp.float32)
    h = h * (deg_out ** -0.5)[:, None]
    h = h @ W
    agg = jax.ops.segment_sum(h[src], dst, num_segments=N)
    return agg * (deg_in ** -0.5)[:, None] + b


def reference(x, edge_index, W1, b1, W2, b2, W3, b3, Wc1, bc1, Wc2, bc2, Wc3, bc3):
    src = edge_index[0]
    dst = edge_index[1]
    h = jax.nn.relu(_graph_conv(x, W1, b1, src, dst))
    h = jax.nn.relu(_graph_conv(h, W2, b2, src, dst))
    h = jax.nn.relu(_graph_conv(h, W3, b3, src, dst))
    # dgl.max_nodes over a single graph -> [1, H]
    hg = jnp.max(h, axis=0, keepdims=True)
    # classifier (dropout is identity in eval mode)
    z = jax.nn.relu(hg @ Wc1 + bc1)
    z = jax.nn.relu(z @ Wc2 + bc2)
    logits = z @ Wc3 + bc3
    return logits

if __name__ == "__main__":
    import jax
    _d = setup_inputs()
    print(jax.jit(kernel)(*tuple(_d.values())))

</pallas_src>

<mosaic_0001>
#map = affine_map<(d0, d1) -> (0, 0, 0)>
module attributes {stable_mosaic.version = 14 : i64} {
  func.func @_sc_degrees(%arg0: i32, %arg1: i32, %arg2: memref<32x79x128xi32, #tpu.memory_space<hbm>>, %arg3: memref<32x79x128xi32, #tpu.memory_space<hbm>>, %arg4: memref<2x2x10240xf32, #tpu.memory_space<hbm>>, %arg5: memref<79x128xi32, #tpu.memory_space<vmem>>, %arg6: memref<79x128xi32, #tpu.memory_space<vmem>>, %arg7: memref<128xf32, #tpu.memory_space<vmem>>, %arg8: memref<640xf32, #tpu.memory_space<vmem>>, %arg9: memref<10240xf32, #tpu.memory_space<vmem_shared>>, %arg10: memref<10240xf32, #tpu.memory_space<vmem_shared>>) attributes {dimension_semantics = [#tpu.dimension_semantics<core_parallel>, #tpu.dimension_semantics<subcore_parallel>], iteration_bounds = array<i64: 2, 16>, scalar_prefetch = 0 : i64, scratch_operands = 6 : i64, tpu.core_type = #tpu.core_type<sc_vector_subcore>, window_params = [{transform_indices = #map}, {transform_indices = #map}, {transform_indices = #map}]} {
    %mul3A = arith.constant 16 : i32
    %mul3A_0 = arith.muli %arg0, %mul3A : i32
    %add3A = arith.addi %mul3A_0, %arg1 : i32
    %scan3A = arith.constant 0 : i32
    %scan3A_1 = arith.constant 8 : i32
    %scan3A_2 = arith.addi %scan3A, %scan3A_1 : i32
    %scan3A_3 = arith.constant 1 : i32
    scf.for %scan3A_29 = %scan3A to %scan3A_2 step %scan3A_3  : i32 {
      %mul3A_30 = arith.constant 16 : i32
      %mul3A_31 = arith.muli %scan3A_29, %mul3A_30 : i32
      %add3A_32 = arith.constant 0 : i32
      %add3A_33 = arith.addi %add3A_32, %mul3A_31 : i32
      %broadcast_in_dim3A = arith.constant 1.000000e+00 : f32
      %broadcast_in_dim3A_34 = vector.broadcast %broadcast_in_dim3A : f32 to vector<16xf32>
      %swap3A = arith.index_cast %add3A_33 : i32 to index
      %swap3A_35 = tpu.vector_load %arg7[%swap3A] {strides = array<i32>} : memref<128xf32, #tpu.memory_space<vmem>>, vector<16xf32>,
      %swap3A_36 = vector.shape_cast %swap3A_35 : vector<16xf32> to vector<16xf32>
      %swap3A_37 = vector.shape_cast %broadcast_in_dim3A_34 : vector<16xf32> to vector<16xf32>
      tpu.vector_store %arg7[%swap3A], %swap3A_37 {strides = array<i32>} : memref<128xf32, #tpu.memory_space<vmem>>, vector<16xf32>,
    }
    %scan3A_4 = arith.constant 8 : i32
    %scan3A_5 = arith.constant 0 : i32
    %scan3A_6 = arith.constant 40 : i32
    %scan3A_7 = arith.addi %scan3A_5, %scan3A_6 : i32
    %scan3A_8 = arith.constant 1 : i32
    scf.for %scan3A_29 = %scan3A_5 to %scan3A_7 step %scan3A_8  : i32 {
      %mul3A_30 = arith.constant 16 : i32
      %mul3A_31 = arith.muli %scan3A_29, %mul3A_30 : i32
      %add3A_32 = arith.constant 0 : i32
      %add3A_33 = arith.addi %add3A_32, %mul3A_31 : i32
      %broadcast_in_dim3A = arith.constant 0.000000e+00 : f32
      %broadcast_in_dim3A_34 = vector.broadcast %broadcast_in_dim3A : f32 to vector<16xf32>
      %swap3A = arith.index_cast %add3A_33 : i32 to index
      %swap3A_35 = tpu.vector_load %arg8[%swap3A] {strides = array<i32>} : memref<640xf32, #tpu.memory_space<vmem>>, vector<16xf32>,
      %swap3A_36 = vector.shape_cast %swap3A_35 : vector<16xf32> to vector<16xf32>
      %swap3A_37 = vector.shape_cast %broadcast_in_dim3A_34 : vector<16xf32> to vector<16xf32>
      tpu.vector_store %arg8[%swap3A], %swap3A_37 {strides = array<i32>} : memref<640xf32, #tpu.memory_space<vmem>>, vector<16xf32>,
    }
    %scan3A_9 = arith.constant 40 : i32
    %mul3A_10 = arith.constant 640 : i32
    %mul3A_11 = arith.muli %arg1, %mul3A_10 : i32
    "tpu.region"() ({
      %run_scoped3A_29 = tpu.sem_alloc : memref<!tpu.dma_semaphore, #tpu.memory_space<semaphore_mem>>
      %dma_start3A = tpu.memref_slice %arg9[%mul3A_11] : memref<10240xf32, #tpu.memory_space<vmem_shared>> -> memref<640xf32, #tpu.memory_space<vmem_shared>>
      %dma_start3A_30 = tpu.memref_slice %arg9[%mul3A_11] : memref<10240xf32, #tpu.memory_space<vmem_shared>> -> memref<640xf32, #tpu.memory_space<vmem_shared>>
      tpu.enqueue_dma source(%arg8 : memref<640xf32, #tpu.memory_space<vmem>>) target(%dma_start3A_30 : memref<640xf32, #tpu.memory_space<vmem_shared>>) target_semaphore(%run_scoped3A_29 : memref<!tpu.dma_semaphore, #tpu.memory_space<semaphore_mem>>)
      %dma_wait3A = tpu.memref_slice %arg9[%mul3A_11] : memref<10240xf32, #tpu.memory_space<vmem_shared>> -> memref<640xf32, #tpu.memory_space<vmem_shared>>
      %dma_wait3A_31 = tpu.memref_slice %arg9[%mul3A_11] : memref<10240xf32, #tpu.memory_space<vmem_shared>> -> memref<640xf32, #tpu.memory_space<vmem_shared>>
      tpu.wait_dma2 semaphore(%run_scoped3A_29 : memref<!tpu.dma_semaphore, #tpu.memory_space<semaphore_mem>>) src(%arg8 : memref<640xf32, #tpu.memory_space<vmem>>) dst(%dma_wait3A_31 : memref<640xf32, #tpu.memory_space<vmem_shared>>)
      tpu.yield
    }) : () -> ()
    %mul3A_12 = arith.constant 640 : i32
    %mul3A_13 = arith.muli %arg1, %mul3A_12 : i32
    "tpu.region"() ({
      %run_scoped3A_29 = tpu.sem_alloc : memref<!tpu.dma_semaphore, #tpu.memory_space<semaphore_mem>>
      %dma_start3A = tpu.memref_slice %arg10[%mul3A_13] : memref<10240xf32, #tpu.memory_space<vmem_shared>> -> memref<640xf32, #tpu.memory_space<vmem_shared>>
      %dma_start3A_30 = tpu.memref_slice %arg10[%mul3A_13] : memref<10240xf32, #tpu.memory_space<vmem_shared>> -> memref<640xf32, #tpu.memory_space<vmem_shared>>
      tpu.enqueue_dma source(%arg8 : memref<640xf32, #tpu.memory_space<vmem>>) target(%dma_start3A_30 : memref<640xf32, #tpu.memory_space<vmem_shared>>) target_semaphore(%run_scoped3A_29 : memref<!tpu.dma_semaphore, #tpu.memory_space<semaphore_mem>>)
      %dma_wait3A = tpu.memref_slice %arg10[%mul3A_13] : memref<10240xf32, #tpu.memory_space<vmem_shared>> -> memref<640xf32, #tpu.memory_space<vmem_shared>>
      %dma_wait3A_31 = tpu.memref_slice %arg10[%mul3A_13] : memref<10240xf32, #tpu.memory_space<vmem_shared>> -> memref<640xf32, #tpu.memory_space<vmem_shared>>
      tpu.wait_dma2 semaphore(%run_scoped3A_29 : memref<!tpu.dma_semaphore, #tpu.memory_space<semaphore_mem>>) src(%arg8 : memref<640xf32, #tpu.memory_space<vmem>>) dst(%dma_wait3A_31 : memref<640xf32, #tpu.memory_space<vmem_shared>>)
      tpu.yield
    }) : () -> ()
    %barrier3A = arith.constant 0 : index
    tpu.barrier barrier_id(%barrier3A)
    "tpu.region"() ({
      %run_scoped3A_29 = tpu.sem_alloc : memref<!tpu.dma_semaphore, #tpu.memory_space<semaphore_mem>>
      %dma_start3A = arith.constant 0 : i32
      %dma_start3A_30 = arith.constant 0 : i32
      %dma_start3A_31 = tpu.memref_slice %arg2[%add3A, %dma_start3A, %dma_start3A_30] : memref<32x79x128xi32, #tpu.memory_space<hbm>> -> memref<1x79x128xi32, #tpu.memory_space<hbm>>
      %dma_start3A_32 = tpu.memref_squeeze %dma_start3A_31 : memref<1x79x128xi32, #tpu.memory_space<hbm>> -> memref<79x128xi32, #tpu.memory_space<hbm>>
      %dma_start3A_33 = arith.constant 0 : i32
      %dma_start3A_34 = arith.constant 0 : i32
      %dma_start3A_35 = tpu.memref_slice %arg2[%add3A, %dma_start3A_33, %dma_start3A_34] : memref<32x79x128xi32, #tpu.memory_space<hbm>> -> memref<1x79x128xi32, #tpu.memory_space<hbm>>
      %dma_start3A_36 = tpu.memref_squeeze %dma_start3A_35 : memref<1x79x128xi32, #tpu.memory_space<hbm>> -> memref<79x128xi32, #tpu.memory_space<hbm>>
      tpu.enqueue_dma source(%dma_start3A_36 : memref<79x128xi32, #tpu.memory_space<hbm>>) target(%arg5 : memref<79x128xi32, #tpu.memory_space<vmem>>) target_semaphore(%run_scoped3A_29 : memref<!tpu.dma_semaphore, #tpu.memory_space<semaphore_mem>>)
      %dma_wait3A = arith.constant 0 : i32
      %dma_wait3A_37 = arith.constant 0 : i32
      %dma_wait3A_38 = tpu.memref_slice %arg2[%add3A, %dma_wait3A, %dma_wait3A_37] : memref<32x79x128xi32, #tpu.memory_space<hbm>> -> memref<1x79x128xi32, #tpu.memory_space<hbm>>
      %dma_wait3A_39 = tpu.memref_squeeze %dma_wait3A_38 : memref<1x79x128xi32, #tpu.memory_space<hbm>> -> memref<79x128xi32, #tpu.memory_space<hbm>>
      %dma_wait3A_40 = arith.constant 0 : i32
      %dma_wait3A_41 = arith.constant 0 : i32
      %dma_wait3A_42 = tpu.memref_slice %arg2[%add3A, %dma_wait3A_40, %dma_wait3A_41] : memref<32x79x128xi32, #tpu.memory_space<hbm>> -> memref<1x79x128xi32, #tpu.memory_space<hbm>>
      %dma_wait3A_43 = tpu.memref_squeeze %dma_wait3A_42 : memref<1x79x128xi32, #tpu.memory_space<hbm>> -> memref<79x128xi32, #tpu.memory_space<hbm>>
      tpu.wait_dma2 semaphore(%run_scoped3A_29 : memref<!tpu.dma_semaphore, #tpu.memory_space<semaphore_mem>>) src(%dma_wait3A_43 : memref<79x128xi32, #tpu.memory_space<hbm>>) dst(%arg5 : memref<79x128xi32, #tpu.memory_space<vmem>>)
      tpu.yield
    }) : () -> ()
    "tpu.region"() ({
      %run_scoped3A_29 = tpu.sem_alloc : memref<!tpu.dma_semaphore, #tpu.memory_space<semaphore_mem>>
      %dma_start3A = arith.constant 0 : i32
      %dma_start3A_30 = arith.constant 0 : i32
      %dma_start3A_31 = tpu.memref_slice %arg3[%add3A, %dma_start3A, %dma_start3A_30] : memref<32x79x128xi32, #tpu.memory_space<hbm>> -> memref<1x79x128xi32, #tpu.memory_space<hbm>>
      %dma_start3A_32 = tpu.memref_squeeze %dma_start3A_31 : memref<1x79x128xi32, #tpu.memory_space<hbm>> -> memref<79x128xi32, #tpu.memory_space<hbm>>
      %dma_start3A_33 = arith.constant 0 : i32
      %dma_start3A_34 = arith.constant 0 : i32
      %dma_start3A_35 = tpu.memref_slice %arg3[%add3A, %dma_start3A_33, %dma_start3A_34] : memref<32x79x128xi32, #tpu.memory_space<hbm>> -> memref<1x79x128xi32, #tpu.memory_space<hbm>>
      %dma_start3A_36 = tpu.memref_squeeze %dma_start3A_35 : memref<1x79x128xi32, #tpu.memory_space<hbm>> -> memref<79x128xi32, #tpu.memory_space<hbm>>
      tpu.enqueue_dma source(%dma_start3A_36 : memref<79x128xi32, #tpu.memory_space<hbm>>) target(%arg6 : memref<79x128xi32, #tpu.memory_space<vmem>>) target_semaphore(%run_scoped3A_29 : memref<!tpu.dma_semaphore, #tpu.memory_space<semaphore_mem>>)
      %dma_wait3A = arith.constant 0 : i32
      %dma_wait3A_37 = arith.constant 0 : i32
      %dma_wait3A_38 = tpu.memref_slice %arg3[%add3A, %dma_wait3A, %dma_wait3A_37] : memref<32x79x128xi32, #tpu.memory_space<hbm>> -> memref<1x79x128xi32, #tpu.memory_space<hbm>>
      %dma_wait3A_39 = tpu.memref_squeeze %dma_wait3A_38 : memref<1x79x128xi32, #tpu.memory_space<hbm>> -> memref<79x128xi32, #tpu.memory_space<hbm>>
      %dma_wait3A_40 = arith.constant 0 : i32
      %dma_wait3A_41 = arith.constant 0 : i32
      %dma_wait3A_42 = tpu.memref_slice %arg3[%add3A, %dma_wait3A_40, %dma_wait3A_41] : memref<32x79x128xi32, #tpu.memory_space<hbm>> -> memref<1x79x128xi32, #tpu.memory_space<hbm>>
      %dma_wait3A_43 = tpu.memref_squeeze %dma_wait3A_42 : memref<1x79x128xi32, #tpu.memory_space<hbm>> -> memref<79x128xi32, #tpu.memory_space<hbm>>
      tpu.wait_dma2 semaphore(%run_scoped3A_29 : memref<!tpu.dma_semaphore, #tpu.memory_space<semaphore_mem>>) src(%dma_wait3A_43 : memref<79x128xi32, #tpu.memory_space<hbm>>) dst(%arg6 : memref<79x128xi32, #tpu.memory_space<vmem>>)
      tpu.yield
    }) : () -> ()
    %scan3A_14 = arith.constant 0 : i32
    %scan3A_15 = arith.constant 79 : i32
    %scan3A_16 = arith.addi %scan3A_14, %scan3A_15 : i32
    %scan3A_17 = arith.constant 1 : i32
    scf.for %scan3A_29 = %scan3A_14 to %scan3A_16 step %scan3A_17  : i32 {
      %mul3A_30 = arith.constant 1 : i32
      %mul3A_31 = arith.muli %scan3A_29, %mul3A_30 : i32
      %add3A_32 = arith.constant 0 : i32
      %add3A_33 = arith.addi %add3A_32, %mul3A_31 : i32
      "tpu.region"() ({
        %run_scoped3A_34 = tpu.sem_alloc : memref<!tpu.dma_semaphore, #tpu.memory_space<semaphore_mem>>
        %dma_start3A = arith.constant 0 : i32
        %dma_start3A_35 = tpu.memref_slice %arg5[%add3A_33, %dma_start3A] : memref<79x128xi32, #tpu.memory_space<vmem>> -> memref<1x128xi32, #tpu.memory_space<vmem>>
        %dma_start3A_36 = tpu.memref_squeeze %dma_start3A_35 : memref<1x128xi32, #tpu.memory_space<vmem>> -> memref<128xi32, #tpu.memory_space<vmem>>
        %dma_start3A_37 = arith.constant 0 : i32
        %dma_start3A_38 = tpu.memref_slice %arg9[%dma_start3A_37] : memref<10240xf32, #tpu.memory_space<vmem_shared>> -> memref<10240xf32, #tpu.memory_space<vmem_shared>>
        tpu.enqueue_indirect_dma source(%arg7 : memref<128xf32, #tpu.memory_space<vmem>>) target(%dma_start3A_38 : memref<10240xf32, #tpu.memory_space<vmem_shared>>) offsets(%dma_start3A_36 : memref<128xi32, #tpu.memory_space<vmem>>) semaphore(%run_scoped3A_34 : memref<!tpu.dma_semaphore, #tpu.memory_space<semaphore_mem>>) {add = true}
        %dma_wait3A = arith.constant 0 : i32
        %dma_wait3A_39 = tpu.memref_slice %arg5[%add3A_33, %dma_wait3A] : memref<79x128xi32, #tpu.memory_space<vmem>> -> memref<1x128xi32, #tpu.memory_space<vmem>>
        %dma_wait3A_40 = tpu.memref_squeeze %dma_wait3A_39 : memref<1x128xi32, #tpu.memory_space<vmem>> -> memref<128xi32, #tpu.memory_space<vmem>>
        %dma_wait3A_41 = arith.constant 0 : i32
        %dma_wait3A_42 = tpu.memref_slice %arg9[%dma_wait3A_41] : memref<10240xf32, #tpu.memory_space<vmem_shared>> -> memref<10240xf32, #tpu.memory_space<vmem_shared>>
        tpu.wait_indirect_dma semaphore(%run_scoped3A_34 : memref<!tpu.dma_semaphore, #tpu.memory_space<semaphore_mem>>) src(%arg7 : memref<128xf32, #tpu.memory_space<vmem>>) dst(%dma_wait3A_42 : memref<10240xf32, #tpu.memory_space<vmem_shared>>)
        tpu.yield
      }) : () -> ()
      "tpu.region"() ({
        %run_scoped3A_34 = tpu.sem_alloc : memref<!tpu.dma_semaphore, #tpu.memory_space<semaphore_mem>>
        %dma_start3A = arith.constant 0 : i32
        %dma_start3A_35 = tpu.memref_slice %arg6[%add3A_33, %dma_start3A] : memref<79x128xi32, #tpu.memory_space<vmem>> -> memref<1x128xi32, #tpu.memory_space<vmem>>
        %dma_start3A_36 = tpu.memref_squeeze %dma_start3A_35 : memref<1x128xi32, #tpu.memory_space<vmem>> -> memref<128xi32, #tpu.memory_space<vmem>>
        %dma_start3A_37 = arith.constant 0 : i32
        %dma_start3A_38 = tpu.memref_slice %arg10[%dma_start3A_37] : memref<10240xf32, #tpu.memory_space<vmem_shared>> -> memref<10240xf32, #tpu.memory_space<vmem_shared>>
        tpu.enqueue_indirect_dma source(%arg7 : memref<128xf32, #tpu.memory_space<vmem>>) target(%dma_start3A_38 : memref<10240xf32, #tpu.memory_space<vmem_shared>>) offsets(%dma_start3A_36 : memref<128xi32, #tpu.memory_space<vmem>>) semaphore(%run_scoped3A_34 : memref<!tpu.dma_semaphore, #tpu.memory_space<semaphore_mem>>) {add = true}
        %dma_wait3A = arith.constant 0 : i32
        %dma_wait3A_39 = tpu.memref_slice %arg6[%add3A_33, %dma_wait3A] : memref<79x128xi32, #tpu.memory_space<vmem>> -> memref<1x128xi32, #tpu.memory_space<vmem>>
        %dma_wait3A_40 = tpu.memref_squeeze %dma_wait3A_39 : memref<1x128xi32, #tpu.memory_space<vmem>> -> memref<128xi32, #tpu.memory_space<vmem>>
        %dma_wait3A_41 = arith.constant 0 : i32
        %dma_wait3A_42 = tpu.memref_slice %arg10[%dma_wait3A_41] : memref<10240xf32, #tpu.memory_space<vmem_shared>> -> memref<10240xf32, #tpu.memory_space<vmem_shared>>
        tpu.wait_indirect_dma semaphore(%run_scoped3A_34 : memref<!tpu.dma_semaphore, #tpu.memory_space<semaphore_mem>>) src(%arg7 : memref<128xf32, #tpu.memory_space<vmem>>) dst(%dma_wait3A_42 : memref<10240xf32, #tpu.memory_space<vmem_shared>>)
        tpu.yield
      }) : () -> ()
    }
    %scan3A_18 = arith.constant 79 : i32
    %barrier3A_19 = arith.constant 0 : index
    tpu.barrier barrier_id(%barrier3A_19)
    %mul3A_20 = arith.constant 640 : i32
    %mul3A_21 = arith.muli %arg1, %mul3A_20 : i32
    %mul3A_22 = arith.constant 640 : i32
    %mul3A_23 = arith.muli %arg1, %mul3A_22 : i32
    %run_scoped3A = arith.constant 0 : i32
    "tpu.region"() ({
      %run_scoped3A_29 = tpu.sem_alloc : memref<!tpu.dma_semaphore, #tpu.memory_space<semaphore_mem>>
      %dma_start3A = tpu.memref_slice %arg4[%arg0, %run_scoped3A, %mul3A_23] : memref<2x2x10240xf32, #tpu.memory_space<hbm>> -> memref<1x1x640xf32, #tpu.memory_space<hbm>>
      %dma_start3A_30 = tpu.memref_squeeze %dma_start3A : memref<1x1x640xf32, #tpu.memory_space<hbm>> -> memref<640xf32, #tpu.memory_space<hbm>>
      %dma_start3A_31 = tpu.memref_slice %arg9[%mul3A_21] : memref<10240xf32, #tpu.memory_space<vmem_shared>> -> memref<640xf32, #tpu.memory_space<vmem_shared>>
      tpu.enqueue_dma source(%dma_start3A_31 : memref<640xf32, #tpu.memory_space<vmem_shared>>) target(%dma_start3A_30 : memref<640xf32, #tpu.memory_space<hbm>>) target_semaphore(%run_scoped3A_29 : memref<!tpu.dma_semaphore, #tpu.memory_space<semaphore_mem>>)
      %dma_wait3A = tpu.memref_slice %arg4[%arg0, %run_scoped3A, %mul3A_23] : memref<2x2x10240xf32, #tpu.memory_space<hbm>> -> memref<1x1x640xf32, #tpu.memory_space<hbm>>
      %dma_wait3A_32 = tpu.memref_squeeze %dma_wait3A : memref<1x1x640xf32, #tpu.memory_space<hbm>> -> memref<640xf32, #tpu.memory_space<hbm>>
      %dma_wait3A_33 = tpu.memref_slice %arg9[%mul3A_21] : memref<10240xf32, #tpu.memory_space<vmem_shared>> -> memref<640xf32, #tpu.memory_space<vmem_shared>>
      tpu.wait_dma2 semaphore(%run_scoped3A_29 : memref<!tpu.dma_semaphore, #tpu.memory_space<semaphore_mem>>) src(%dma_wait3A_33 : memref<640xf32, #tpu.memory_space<vmem_shared>>) dst(%dma_wait3A_32 : memref<640xf32, #tpu.memory_space<hbm>>)
      tpu.yield
    }) : () -> ()
    %mul3A_24 = arith.constant 640 : i32
    %mul3A_25 = arith.muli %arg1, %mul3A_24 : i32
    %mul3A_26 = arith.constant 640 : i32
    %mul3A_27 = arith.muli %arg1, %mul3A_26 : i32
    %run_scoped3A_28 = arith.constant 1 : i32
    "tpu.region"() ({
      %run_scoped3A_29 = tpu.sem_alloc : memref<!tpu.dma_semaphore, #tpu.memory_space<semaphore_mem>>
      %dma_start3A = tpu.memref_slice %arg4[%arg0, %run_scoped3A_28, %mul3A_27] : memref<2x2x10240xf32, #tpu.memory_space<hbm>> -> memref<1x1x640xf32, #tpu.memory_space<hbm>>
      %dma_start3A_30 = tpu.memref_squeeze %dma_start3A : memref<1x1x640xf32, #tpu.memory_space<hbm>> -> memref<640xf32, #tpu.memory_space<hbm>>
      %dma_start3A_31 = tpu.memref_slice %arg10[%mul3A_25] : memref<10240xf32, #tpu.memory_space<vmem_shared>> -> memref<640xf32, #tpu.memory_space<vmem_shared>>
      tpu.enqueue_dma source(%dma_start3A_31 : memref<640xf32, #tpu.memory_space<vmem_shared>>) target(%dma_start3A_30 : memref<640xf32, #tpu.memory_space<hbm>>) target_semaphore(%run_scoped3A_29 : memref<!tpu.dma_semaphore, #tpu.memory_space<semaphore_mem>>)
      %dma_wait3A = tpu.memref_slice %arg4[%arg0, %run_scoped3A_28, %mul3A_27] : memref<2x2x10240xf32, #tpu.memory_space<hbm>> -> memref<1x1x640xf32, #tpu.memory_space<hbm>>
      %dma_wait3A_32 = tpu.memref_squeeze %dma_wait3A : memref<1x1x640xf32, #tpu.memory_space<hbm>> -> memref<640xf32, #tpu.memory_space<hbm>>
      %dma_wait3A_33 = tpu.memref_slice %arg10[%mul3A_25] : memref<10240xf32, #tpu.memory_space<vmem_shared>> -> memref<640xf32, #tpu.memory_space<vmem_shared>>
      tpu.wait_dma2 semaphore(%run_scoped3A_29 : memref<!tpu.dma_semaphore, #tpu.memory_space<semaphore_mem>>) src(%dma_wait3A_33 : memref<640xf32, #tpu.memory_space<vmem_shared>>) dst(%dma_wait3A_32 : memref<640xf32, #tpu.memory_space<hbm>>)
      tpu.yield
    }) : () -> ()
    return
  }
}

#map = affine_map<(d0, d1) -> (0, 0)>
#map1 = affine_map<(d0, d1) -> (0, 0, 0)>
module attributes {stable_mosaic.version = 14 : i64} {
  func.func @_sc_aggregate(%arg0: i32, %arg1: i32, %arg2: memref<10240x128xf32, #tpu.memory_space<hbm>>, %arg3: memref<32x79x128xi32, #tpu.memory_space<hbm>>, %arg4: memref<32x79x128xi32, #tpu.memory_space<hbm>>, %arg5: memref<2x10240x128xf32, #tpu.memory_space<hbm>>, %arg6: memref<79x128xi32, #tpu.memory_space<vmem>>, %arg7: memref<79x128xi32, #tpu.memory_space<vmem>>, %arg8: memref<128x128xf32, #tpu.memory_space<vmem>>, %arg9: memref<64x128xf32, #tpu.memory_space<vmem>>, %arg10: memref<10240x128xf32, #tpu.memory_space<vmem_shared>>) attributes {dimension_semantics = [#tpu.dimension_semantics<core_parallel>, #tpu.dimension_semantics<subcore_parallel>], iteration_bounds = array<i64: 2, 16>, scalar_prefetch = 0 : i64, scratch_operands = 5 : i64, tpu.core_type = #tpu.core_type<sc_vector_subcore>, window_params = [{transform_indices = #map}, {transform_indices = #map1}, {transform_indices = #map1}, {transform_indices = #map1}]} {
    %mul3A = arith.constant 16 : i32
    %mul3A_0 = arith.muli %arg0, %mul3A : i32
    %add3A = arith.addi %mul3A_0, %arg1 : i32
    %scan3A = arith.constant 0 : i32
    %scan3A_1 = arith.constant 64 : i32
    %scan3A_2 = arith.addi %scan3A, %scan3A_1 : i32
    %scan3A_3 = arith.constant 1 : i32
    scf.for %scan3A_20 = %scan3A to %scan3A_2 step %scan3A_3  : i32 {
      %mul3A_21 = arith.constant 1 : i32
      %mul3A_22 = arith.muli %scan3A_20, %mul3A_21 : i32
      %add3A_23 = arith.constant 0 : i32
      %add3A_24 = arith.addi %add3A_23, %mul3A_22 : i32
      %scan3A_25 = arith.constant 0 : i32
      %scan3A_26 = arith.constant 8 : i32
      %scan3A_27 = arith.addi %scan3A_25, %scan3A_26 : i32
      %scan3A_28 = arith.constant 1 : i32
      scf.for %scan3A_30 = %scan3A_25 to %scan3A_27 step %scan3A_28  : i32 {
        %mul3A_31 = arith.constant 16 : i32
        %mul3A_32 = arith.muli %scan3A_30, %mul3A_31 : i32
        %add3A_33 = arith.constant 0 : i32
        %add3A_34 = arith.addi %add3A_33, %mul3A_32 : i32
        %broadcast_in_dim3A = arith.constant 0.000000e+00 : f32
        %broadcast_in_dim3A_35 = vector.broadcast %broadcast_in_dim3A : f32 to vector<16xf32>
        %swap3A = arith.index_cast %add3A_24 : i32 to index
        %swap3A_36 = arith.index_cast %add3A_34 : i32 to index
        %swap3A_37 = tpu.vector_load %arg9[%swap3A, %swap3A_36] {strides = array<i32>} : memref<64x128xf32, #tpu.memory_space<vmem>>, vector<1x16xf32>,
        %swap3A_38 = vector.shape_cast %swap3A_37 : vector<1x16xf32> to vector<16xf32>
        %swap3A_39 = vector.shape_cast %broadcast_in_dim3A_35 : vector<16xf32> to vector<1x16xf32>
        tpu.vector_store %arg9[%swap3A, %swap3A_36], %swap3A_39 {strides = array<i32>} : memref<64x128xf32, #tpu.memory_space<vmem>>, vector<1x16xf32>,
      }
      %scan3A_29 = arith.constant 8 : i32
    }
    %scan3A_4 = arith.constant 64 : i32
    %scan3A_5 = arith.constant 0 : i32
    %scan3A_6 = arith.constant 10 : i32
    %scan3A_7 = arith.addi %scan3A_5, %scan3A_6 : i32
    %scan3A_8 = arith.constant 1 : i32
    scf.for %scan3A_20 = %scan3A_5 to %scan3A_7 step %scan3A_8  : i32 {
      %mul3A_21 = arith.constant 1 : i32
      %mul3A_22 = arith.muli %scan3A_20, %mul3A_21 : i32
      %add3A_23 = arith.constant 0 : i32
      %add3A_24 = arith.addi %add3A_23, %mul3A_22 : i32
      %mul3A_25 = arith.constant 640 : i32
      %mul3A_26 = arith.muli %arg1, %mul3A_25 : i32
      %mul3A_27 = arith.constant 64 : i32
      %mul3A_28 = arith.muli %add3A_24, %mul3A_27 : i32
      %add3A_29 = arith.addi %mul3A_26, %mul3A_28 : i32
      "tpu.region"() ({
        %run_scoped3A = tpu.sem_alloc : memref<!tpu.dma_semaphore, #tpu.memory_space<semaphore_mem>>
        %dma_start3A = arith.constant 0 : i32
        %dma_start3A_30 = tpu.memref_slice %arg10[%add3A_29, %dma_start3A] : memref<10240x128xf32, #tpu.memory_space<vmem_shared>> -> memref<64x128xf32, #tpu.memory_space<vmem_shared>>
        %dma_start3A_31 = arith.constant 0 : i32
        %dma_start3A_32 = tpu.memref_slice %arg10[%add3A_29, %dma_start3A_31] : memref<10240x128xf32, #tpu.memory_space<vmem_shared>> -> memref<64x128xf32, #tpu.memory_space<vmem_shared>>
        tpu.enqueue_dma source(%arg9 : memref<64x128xf32, #tpu.memory_space<vmem>>) target(%dma_start3A_32 : memref<64x128xf32, #tpu.memory_space<vmem_shared>>) target_semaphore(%run_scoped3A : memref<!tpu.dma_semaphore, #tpu.memory_space<semaphore_mem>>)
        %dma_wait3A = arith.constant 0 : i32
        %dma_wait3A_33 = tpu.memref_slice %arg10[%add3A_29, %dma_wait3A] : memref<10240x128xf32, #tpu.memory_space<vmem_shared>> -> memref<64x128xf32, #tpu.memory_space<vmem_shared>>
        %dma_wait3A_34 = arith.constant 0 : i32
        %dma_wait3A_35 = tpu.memref_slice %arg10[%add3A_29, %dma_wait3A_34] : memref<10240x128xf32, #tpu.memory_space<vmem_shared>> -> memref<64x128xf32, #tpu.memory_space<vmem_shared>>
        tpu.wait_dma2 semaphore(%run_scoped3A : memref<!tpu.dma_semaphore, #tpu.memory_space<semaphore_mem>>) src(%arg9 : memref<64x128xf32, #tpu.memory_space<vmem>>) dst(%dma_wait3A_35 : memref<64x128xf32, #tpu.memory_space<vmem_shared>>)
        tpu.yield
      }) : () -> ()
    }
    %scan3A_9 = arith.constant 10 : i32
    "tpu.region"() ({
      %run_scoped3A = tpu.sem_alloc : memref<!tpu.dma_semaphore, #tpu.memory_space<semaphore_mem>>
      %dma_start3A = arith.constant 0 : i32
      %dma_start3A_20 = arith.constant 0 : i32
      %dma_start3A_21 = tpu.memref_slice %arg3[%add3A, %dma_start3A, %dma_start3A_20] : memref<32x79x128xi32, #tpu.memory_space<hbm>> -> memref<1x79x128xi32, #tpu.memory_space<hbm>>
      %dma_start3A_22 = tpu.memref_squeeze %dma_start3A_21 : memref<1x79x128xi32, #tpu.memory_space<hbm>> -> memref<79x128xi32, #tpu.memory_space<hbm>>
      %dma_start3A_23 = arith.constant 0 : i32
      %dma_start3A_24 = arith.constant 0 : i32
      %dma_start3A_25 = tpu.memref_slice %arg3[%add3A, %dma_start3A_23, %dma_start3A_24] : memref<32x79x128xi32, #tpu.memory_space<hbm>> -> memref<1x79x128xi32, #tpu.memory_space<hbm>>
      %dma_start3A_26 = tpu.memref_squeeze %dma_start3A_25 : memref<1x79x128xi32, #tpu.memory_space<hbm>> -> memref<79x128xi32, #tpu.memory_space<hbm>>
      tpu.enqueue_dma source(%dma_start3A_26 : memref<79x128xi32, #tpu.memory_space<hbm>>) target(%arg6 : memref<79x128xi32, #tpu.memory_space<vmem>>) target_semaphore(%run_scoped3A : memref<!tpu.dma_semaphore, #tpu.memory_space<semaphore_mem>>)
      %dma_wait3A = arith.constant 0 : i32
      %dma_wait3A_27 = arith.constant 0 : i32
      %dma_wait3A_28 = tpu.memref_slice %arg3[%add3A, %dma_wait3A, %dma_wait3A_27] : memref<32x79x128xi32, #tpu.memory_space<hbm>> -> memref<1x79x128xi32, #tpu.memory_space<hbm>>
      %dma_wait3A_29 = tpu.memref_squeeze %dma_wait3A_28 : memref<1x79x128xi32, #tpu.memory_space<hbm>> -> memref<79x128xi32, #tpu.memory_space<hbm>>
      %dma_wait3A_30 = arith.constant 0 : i32
      %dma_wait3A_31 = arith.constant 0 : i32
      %dma_wait3A_32 = tpu.memref_slice %arg3[%add3A, %dma_wait3A_30, %dma_wait3A_31] : memref<32x79x128xi32, #tpu.memory_space<hbm>> -> memref<1x79x128xi32, #tpu.memory_space<hbm>>
      %dma_wait3A_33 = tpu.memref_squeeze %dma_wait3A_32 : memref<1x79x128xi32, #tpu.memory_space<hbm>> -> memref<79x128xi32, #tpu.memory_space<hbm>>
      tpu.wait_dma2 semaphore(%run_scoped3A : memref<!tpu.dma_semaphore, #tpu.memory_space<semaphore_mem>>) src(%dma_wait3A_33 : memref<79x128xi32, #tpu.memory_space<hbm>>) dst(%arg6 : memref<79x128xi32, #tpu.memory_space<vmem>>)
      tpu.yield
    }) : () -> ()
    "tpu.region"() ({
      %run_scoped3A = tpu.sem_alloc : memref<!tpu.dma_semaphore, #tpu.memory_space<semaphore_mem>>
      %dma_start3A = arith.constant 0 : i32
      %dma_start3A_20 = arith.constant 0 : i32
      %dma_start3A_21 = tpu.memref_slice %arg4[%add3A, %dma_start3A, %dma_start3A_20] : memref<32x79x128xi32, #tpu.memory_space<hbm>> -> memref<1x79x128xi32, #tpu.memory_space<hbm>>
      %dma_start3A_22 = tpu.memref_squeeze %dma_start3A_21 : memref<1x79x128xi32, #tpu.memory_space<hbm>> -> memref<79x128xi32, #tpu.memory_space<hbm>>
      %dma_start3A_23 = arith.constant 0 : i32
      %dma_start3A_24 = arith.constant 0 : i32
      %dma_start3A_25 = tpu.memref_slice %arg4[%add3A, %dma_start3A_23, %dma_start3A_24] : memref<32x79x128xi32, #tpu.memory_space<hbm>> -> memref<1x79x128xi32, #tpu.memory_space<hbm>>
      %dma_start3A_26 = tpu.memref_squeeze %dma_start3A_25 : memref<1x79x128xi32, #tpu.memory_space<hbm>> -> memref<79x128xi32, #tpu.memory_space<hbm>>
      tpu.enqueue_dma source(%dma_start3A_26 : memref<79x128xi32, #tpu.memory_space<hbm>>) target(%arg7 : memref<79x128xi32, #tpu.memory_space<vmem>>) target_semaphore(%run_scoped3A : memref<!tpu.dma_semaphore, #tpu.memory_space<semaphore_mem>>)
      %dma_wait3A = arith.constant 0 : i32
      %dma_wait3A_27 = arith.constant 0 : i32
      %dma_wait3A_28 = tpu.memref_slice %arg4[%add3A, %dma_wait3A, %dma_wait3A_27] : memref<32x79x128xi32, #tpu.memory_space<hbm>> -> memref<1x79x128xi32, #tpu.memory_space<hbm>>
      %dma_wait3A_29 = tpu.memref_squeeze %dma_wait3A_28 : memref<1x79x128xi32, #tpu.memory_space<hbm>> -> memref<79x128xi32, #tpu.memory_space<hbm>>
      %dma_wait3A_30 = arith.constant 0 : i32
      %dma_wait3A_31 = arith.constant 0 : i32
      %dma_wait3A_32 = tpu.memref_slice %arg4[%add3A, %dma_wait3A_30, %dma_wait3A_31] : memref<32x79x128xi32, #tpu.memory_space<hbm>> -> memref<1x79x128xi32, #tpu.memory_space<hbm>>
      %dma_wait3A_33 = tpu.memref_squeeze %dma_wait3A_32 : memref<1x79x128xi32, #tpu.memory_space<hbm>> -> memref<79x128xi32, #tpu.memory_space<hbm>>
      tpu.wait_dma2 semaphore(%run_scoped3A : memref<!tpu.dma_semaphore, #tpu.memory_space<semaphore_mem>>) src(%dma_wait3A_33 : memref<79x128xi32, #tpu.memory_space<hbm>>) dst(%arg7 : memref<79x128xi32, #tpu.memory_space<vmem>>)
      tpu.yield
    }) : () -> ()
    %barrier3A = arith.constant 0 : index
    tpu.barrier barrier_id(%barrier3A)
    %scan3A_10 = arith.constant 0 : i32
    %scan3A_11 = arith.constant 79 : i32
    %scan3A_12 = arith.addi %scan3A_10, %scan3A_11 : i32
    %scan3A_13 = arith.constant 1 : i32
    scf.for %scan3A_20 = %scan3A_10 to %scan3A_12 step %scan3A_13  : i32 {
      %mul3A_21 = arith.constant 1 : i32
      %mul3A_22 = arith.muli %scan3A_20, %mul3A_21 : i32
      %add3A_23 = arith.constant 0 : i32
      %add3A_24 = arith.addi %add3A_23, %mul3A_22 : i32
      "tpu.region"() ({
        %run_scoped3A = tpu.sem_alloc : memref<!tpu.dma_semaphore, #tpu.memory_space<semaphore_mem>>
        %dma_start3A = arith.constant 0 : i32
        %dma_start3A_25 = tpu.memref_slice %arg6[%add3A_24, %dma_start3A] : memref<79x128xi32, #tpu.memory_space<vmem>> -> memref<1x128xi32, #tpu.memory_space<vmem>>
        %dma_start3A_26 = tpu.memref_squeeze %dma_start3A_25 : memref<1x128xi32, #tpu.memory_space<vmem>> -> memref<128xi32, #tpu.memory_space<vmem>>
        %dma_start3A_27 = arith.constant 0 : i32
        %dma_start3A_28 = arith.constant 0 : i32
        %dma_start3A_29 = tpu.memref_slice %arg2[%dma_start3A_27, %dma_start3A_28] : memref<10240x128xf32, #tpu.memory_space<hbm>> -> memref<10240x128xf32, #tpu.memory_space<hbm>>
        tpu.enqueue_indirect_dma source(%dma_start3A_29 : memref<10240x128xf32, #tpu.memory_space<hbm>>) target(%arg8 : memref<128x128xf32, #tpu.memory_space<vmem>>) offsets(%dma_start3A_26 : memref<128xi32, #tpu.memory_space<vmem>>) semaphore(%run_scoped3A : memref<!tpu.dma_semaphore, #tpu.memory_space<semaphore_mem>>)
        %dma_wait3A = arith.constant 0 : i32
        %dma_wait3A_30 = tpu.memref_slice %arg6[%add3A_24, %dma_wait3A] : memref<79x128xi32, #tpu.memory_space<vmem>> -> memref<1x128xi32, #tpu.memory_space<vmem>>
        %dma_wait3A_31 = tpu.memref_squeeze %dma_wait3A_30 : memref<1x128xi32, #tpu.memory_space<vmem>> -> memref<128xi32, #tpu.memory_space<vmem>>
        %dma_wait3A_32 = arith.constant 0 : i32
        %dma_wait3A_33 = arith.constant 0 : i32
        %dma_wait3A_34 = tpu.memref_slice %arg2[%dma_wait3A_32, %dma_wait3A_33] : memref<10240x128xf32, #tpu.memory_space<hbm>> -> memref<10240x128xf32, #tpu.memory_space<hbm>>
        tpu.wait_indirect_dma semaphore(%run_scoped3A : memref<!tpu.dma_semaphore, #tpu.memory_space<semaphore_mem>>) src(%dma_wait3A_34 : memref<10240x128xf32, #tpu.memory_space<hbm>>) dst(%arg8 : memref<128x128xf32, #tpu.memory_space<vmem>>)
        tpu.yield
      }) : () -> ()
      "tpu.region"() ({
        %run_scoped3A = tpu.sem_alloc : memref<!tpu.dma_semaphore, #tpu.memory_space<semaphore_mem>>
        %dma_start3A = arith.constant 0 : i32
        %dma_start3A_25 = tpu.memref_slice %arg7[%add3A_24, %dma_start3A] : memref<79x128xi32, #tpu.memory_space<vmem>> -> memref<1x128xi32, #tpu.memory_space<vmem>>
        %dma_start3A_26 = tpu.memref_squeeze %dma_start3A_25 : memref<1x128xi32, #tpu.memory_space<vmem>> -> memref<128xi32, #tpu.memory_space<vmem>>
        %dma_start3A_27 = arith.constant 0 : i32
        %dma_start3A_28 = arith.constant 0 : i32
        %dma_start3A_29 = tpu.memref_slice %arg10[%dma_start3A_27, %dma_start3A_28] : memref<10240x128xf32, #tpu.memory_space<vmem_shared>> -> memref<10240x128xf32, #tpu.memory_space<vmem_shared>>
        tpu.enqueue_indirect_dma source(%arg8 : memref<128x128xf32, #tpu.memory_space<vmem>>) target(%dma_start3A_29 : memref<10240x128xf32, #tpu.memory_space<vmem_shared>>) offsets(%dma_start3A_26 : memref<128xi32, #tpu.memory_space<vmem>>) semaphore(%run_scoped3A : memref<!tpu.dma_semaphore, #tpu.memory_space<semaphore_mem>>) {add = true}
        %dma_wait3A = arith.constant 0 : i32
        %dma_wait3A_30 = tpu.memref_slice %arg7[%add3A_24, %dma_wait3A] : memref<79x128xi32, #tpu.memory_space<vmem>> -> memref<1x128xi32, #tpu.memory_space<vmem>>
        %dma_wait3A_31 = tpu.memref_squeeze %dma_wait3A_30 : memref<1x128xi32, #tpu.memory_space<vmem>> -> memref<128xi32, #tpu.memory_space<vmem>>
        %dma_wait3A_32 = arith.constant 0 : i32
        %dma_wait3A_33 = arith.constant 0 : i32
        %dma_wait3A_34 = tpu.memref_slice %arg10[%dma_wait3A_32, %dma_wait3A_33] : memref<10240x128xf32, #tpu.memory_space<vmem_shared>> -> memref<10240x128xf32, #tpu.memory_space<vmem_shared>>
        tpu.wait_indirect_dma semaphore(%run_scoped3A : memref<!tpu.dma_semaphore, #tpu.memory_space<semaphore_mem>>) src(%arg8 : memref<128x128xf32, #tpu.memory_space<vmem>>) dst(%dma_wait3A_34 : memref<10240x128xf32, #tpu.memory_space<vmem_shared>>)
        tpu.yield
      }) : () -> ()
    }
    %scan3A_14 = arith.constant 79 : i32
    %barrier3A_15 = arith.constant 0 : index
    tpu.barrier barrier_id(%barrier3A_15)
    %mul3A_16 = arith.constant 640 : i32
    %mul3A_17 = arith.muli %arg1, %mul3A_16 : i32
    %mul3A_18 = arith.constant 640 : i32
    %mul3A_19 = arith.muli %arg1, %mul3A_18 : i32
    "tpu.region"() ({
      %run_scoped3A = tpu.sem_alloc : memref<!tpu.dma_semaphore, #tpu.memory_space<semaphore_mem>>
      %dma_start3A = arith.constant 0 : i32
      %dma_start3A_20 = tpu.memref_slice %arg5[%arg0, %mul3A_19, %dma_start3A] : memref<2x10240x128xf32, #tpu.memory_space<hbm>> -> memref<1x640x128xf32, #tpu.memory_space<hbm>>
      %dma_start3A_21 = tpu.memref_squeeze %dma_start3A_20 : memref<1x640x128xf32, #tpu.memory_space<hbm>> -> memref<640x128xf32, #tpu.memory_space<hbm>>
      %dma_start3A_22 = arith.constant 0 : i32
      %dma_start3A_23 = tpu.memref_slice %arg10[%mul3A_17, %dma_start3A_22] : memref<10240x128xf32, #tpu.memory_space<vmem_shared>> -> memref<640x128xf32, #tpu.memory_space<vmem_shared>>
      tpu.enqueue_dma source(%dma_start3A_23 : memref<640x128xf32, #tpu.memory_space<vmem_shared>>) target(%dma_start3A_21 : memref<640x128xf32, #tpu.memory_space<hbm>>) target_semaphore(%run_scoped3A : memref<!tpu.dma_semaphore, #tpu.memory_space<semaphore_mem>>)
      %dma_wait3A = arith.constant 0 : i32
      %dma_wait3A_24 = tpu.memref_slice %arg5[%arg0, %mul3A_19, %dma_wait3A] : memref<2x10240x128xf32, #tpu.memory_space<hbm>> -> memref<1x640x128xf32, #tpu.memory_space<hbm>>
      %dma_wait3A_25 = tpu.memref_squeeze %dma_wait3A_24 : memref<1x640x128xf32, #tpu.memory_space<hbm>> -> memref<640x128xf32, #tpu.memory_space<hbm>>
      %dma_wait3A_26 = arith.constant 0 : i32
      %dma_wait3A_27 = tpu.memref_slice %arg10[%mul3A_17, %dma_wait3A_26] : memref<10240x128xf32, #tpu.memory_space<vmem_shared>> -> memref<640x128xf32, #tpu.memory_space<vmem_shared>>
      tpu.wait_dma2 semaphore(%run_scoped3A : memref<!tpu.dma_semaphore, #tpu.memory_space<semaphore_mem>>) src(%dma_wait3A_27 : memref<640x128xf32, #tpu.memory_space<vmem_shared>>) dst(%dma_wait3A_25 : memref<640x128xf32, #tpu.memory_space<hbm>>)
      tpu.yield
    }) : () -> ()
    return
  }
}

#map = affine_map<(d0, d1) -> (0, 0)>
#map1 = affine_map<(d0, d1) -> (0, 0, 0)>
module attributes {stable_mosaic.version = 14 : i64} {
  func.func @_sc_aggregate(%arg0: i32, %arg1: i32, %arg2: memref<10240x128xf32, #tpu.memory_space<hbm>>, %arg3: memref<32x79x128xi32, #tpu.memory_space<hbm>>, %arg4: memref<32x79x128xi32, #tpu.memory_space<hbm>>, %arg5: memref<2x10240x128xf32, #tpu.memory_space<hbm>>, %arg6: memref<79x128xi32, #tpu.memory_space<vmem>>, %arg7: memref<79x128xi32, #tpu.memory_space<vmem>>, %arg8: memref<128x128xf32, #tpu.memory_space<vmem>>, %arg9: memref<64x128xf32, #tpu.memory_space<vmem>>, %arg10: memref<10240x128xf32, #tpu.memory_space<vmem_shared>>) attributes {dimension_semantics = [#tpu.dimension_semantics<core_parallel>, #tpu.dimension_semantics<subcore_parallel>], iteration_bounds = array<i64: 2, 16>, scalar_prefetch = 0 : i64, scratch_operands = 5 : i64, tpu.core_type = #tpu.core_type<sc_vector_subcore>, window_params = [{transform_indices = #map}, {transform_indices = #map1}, {transform_indices = #map1}, {transform_indices = #map1}]} {
    %mul3A = arith.constant 16 : i32
    %mul3A_0 = arith.muli %arg0, %mul3A : i32
    %add3A = arith.addi %mul3A_0, %arg1 : i32
    %scan3A = arith.constant 0 : i32
    %scan3A_1 = arith.constant 64 : i32
    %scan3A_2 = arith.addi %scan3A, %scan3A_1 : i32
    %scan3A_3 = arith.constant 1 : i32
    scf.for %scan3A_20 = %scan3A to %scan3A_2 step %scan3A_3  : i32 {
      %mul3A_21 = arith.constant 1 : i32
      %mul3A_22 = arith.muli %scan3A_20, %mul3A_21 : i32
      %add3A_23 = arith.constant 0 : i32
      %add3A_24 = arith.addi %add3A_23, %mul3A_22 : i32
      %scan3A_25 = arith.constant 0 : i32
      %scan3A_26 = arith.constant 8 : i32
      %scan3A_27 = arith.addi %scan3A_25, %scan3A_26 : i32
      %scan3A_28 = arith.constant 1 : i32
      scf.for %scan3A_30 = %scan3A_25 to %scan3A_27 step %scan3A_28  : i32 {
        %mul3A_31 = arith.constant 16 : i32
        %mul3A_32 = arith.muli %scan3A_30, %mul3A_31 : i32
        %add3A_33 = arith.constant 0 : i32
        %add3A_34 = arith.addi %add3A_33, %mul3A_32 : i32
        %broadcast_in_dim3A = arith.constant 0.000000e+00 : f32
        %broadcast_in_dim3A_35 = vector.broadcast %broadcast_in_dim3A : f32 to vector<16xf32>
        %swap3A = arith.index_cast %add3A_24 : i32 to index
        %swap3A_36 = arith.index_cast %add3A_34 : i32 to index
        %swap3A_37 = tpu.vector_load %arg9[%swap3A, %swap3A_36] {strides = array<i32>} : memref<64x128xf32, #tpu.memory_space<vmem>>, vector<1x16xf32>,
        %swap3A_38 = vector.shape_cast %swap3A_37 : vector<1x16xf32> to vector<16xf32>
        %swap3A_39 = vector.shape_cast %broadcast_in_dim3A_35 : vector<16xf32> to vector<1x16xf32>
        tpu.vector_store %arg9[%swap3A, %swap3A_36], %swap3A_39 {strides = array<i32>} : memref<64x128xf32, #tpu.memory_space<vmem>>, vector<1x16xf32>,
      }
      %scan3A_29 = arith.constant 8 : i32
    }
    %scan3A_4 = arith.constant 64 : i32
    %scan3A_5 = arith.constant 0 : i32
    %scan3A_6 = arith.constant 10 : i32
    %scan3A_7 = arith.addi %scan3A_5, %scan3A_6 : i32
    %scan3A_8 = arith.constant 1 : i32
    scf.for %scan3A_20 = %scan3A_5 to %scan3A_7 step %scan3A_8  : i32 {
      %mul3A_21 = arith.constant 1 : i32
      %mul3A_22 = arith.muli %scan3A_20, %mul3A_21 : i32
      %add3A_23 = arith.constant 0 : i32
      %add3A_24 = arith.addi %add3A_23, %mul3A_22 : i32
      %mul3A_25 = arith.constant 640 : i32
      %mul3A_26 = arith.muli %arg1, %mul3A_25 : i32
      %mul3A_27 = arith.constant 64 : i32
      %mul3A_28 = arith.muli %add3A_24, %mul3A_27 : i32
      %add3A_29 = arith.addi %mul3A_26, %mul3A_28 : i32
      "tpu.region"() ({
        %run_scoped3A = tpu.sem_alloc : memref<!tpu.dma_semaphore, #tpu.memory_space<semaphore_mem>>
        %dma_start3A = arith.constant 0 : i32
        %dma_start3A_30 = tpu.memref_slice %arg10[%add3A_29, %dma_start3A] : memref<10240x128xf32, #tpu.memory_space<vmem_shared>> -> memref<64x128xf32, #tpu.memory_space<vmem_shared>>
        %dma_start3A_31 = arith.constant 0 : i32
        %dma_start3A_32 = tpu.memref_slice %arg10[%add3A_29, %dma_start3A_31] : memref<10240x128xf32, #tpu.memory_space<vmem_shared>> -> memref<64x128xf32, #tpu.memory_space<vmem_shared>>
        tpu.enqueue_dma source(%arg9 : memref<64x128xf32, #tpu.memory_space<vmem>>) target(%dma_start3A_32 : memref<64x128xf32, #tpu.memory_space<vmem_shared>>) target_semaphore(%run_scoped3A : memref<!tpu.dma_semaphore, #tpu.memory_space<semaphore_mem>>)
        %dma_wait3A = arith.constant 0 : i32
        %dma_wait3A_33 = tpu.memref_slice %arg10[%add3A_29, %dma_wait3A] : memref<10240x128xf32, #tpu.memory_space<vmem_shared>> -> memref<64x128xf32, #tpu.memory_space<vmem_shared>>
        %dma_wait3A_34 = arith.constant 0 : i32
        %dma_wait3A_35 = tpu.memref_slice %arg10[%add3A_29, %dma_wait3A_34] : memref<10240x128xf32, #tpu.memory_space<vmem_shared>> -> memref<64x128xf32, #tpu.memory_space<vmem_shared>>
        tpu.wait_dma2 semaphore(%run_scoped3A : memref<!tpu.dma_semaphore, #tpu.memory_space<semaphore_mem>>) src(%arg9 : memref<64x128xf32, #tpu.memory_space<vmem>>) dst(%dma_wait3A_35 : memref<64x128xf32, #tpu.memory_space<vmem_shared>>)
        tpu.yield
      }) : () -> ()
    }
    %scan3A_9 = arith.constant 10 : i32
    "tpu.region"() ({
      %run_scoped3A = tpu.sem_alloc : memref<!tpu.dma_semaphore, #tpu.memory_space<semaphore_mem>>
      %dma_start3A = arith.constant 0 : i32
      %dma_start3A_20 = arith.constant 0 : i32
      %dma_start3A_21 = tpu.memref_slice %arg3[%add3A, %dma_start3A, %dma_start3A_20] : memref<32x79x128xi32, #tpu.memory_space<hbm>> -> memref<1x79x128xi32, #tpu.memory_space<hbm>>
      %dma_start3A_22 = tpu.memref_squeeze %dma_start3A_21 : memref<1x79x128xi32, #tpu.memory_space<hbm>> -> memref<79x128xi32, #tpu.memory_space<hbm>>
      %dma_start3A_23 = arith.constant 0 : i32
      %dma_start3A_24 = arith.constant 0 : i32
      %dma_start3A_25 = tpu.memref_slice %arg3[%add3A, %dma_start3A_23, %dma_start3A_24] : memref<32x79x128xi32, #tpu.memory_space<hbm>> -> memref<1x79x128xi32, #tpu.memory_space<hbm>>
      %dma_start3A_26 = tpu.memref_squeeze %dma_start3A_25 : memref<1x79x128xi32, #tpu.memory_space<hbm>> -> memref<79x128xi32, #tpu.memory_space<hbm>>
      tpu.enqueue_dma source(%dma_start3A_26 : memref<79x128xi32, #tpu.memory_space<hbm>>) target(%arg6 : memref<79x128xi32, #tpu.memory_space<vmem>>) target_semaphore(%run_scoped3A : memref<!tpu.dma_semaphore, #tpu.memory_space<semaphore_mem>>)
      %dma_wait3A = arith.constant 0 : i32
      %dma_wait3A_27 = arith.constant 0 : i32
      %dma_wait3A_28 = tpu.memref_slice %arg3[%add3A, %dma_wait3A, %dma_wait3A_27] : memref<32x79x128xi32, #tpu.memory_space<hbm>> -> memref<1x79x128xi32, #tpu.memory_space<hbm>>
      %dma_wait3A_29 = tpu.memref_squeeze %dma_wait3A_28 : memref<1x79x128xi32, #tpu.memory_space<hbm>> -> memref<79x128xi32, #tpu.memory_space<hbm>>
      %dma_wait3A_30 = arith.constant 0 : i32
      %dma_wait3A_31 = arith.constant 0 : i32
      %dma_wait3A_32 = tpu.memref_slice %arg3[%add3A, %dma_wait3A_30, %dma_wait3A_31] : memref<32x79x128xi32, #tpu.memory_space<hbm>> -> memref<1x79x128xi32, #tpu.memory_space<hbm>>
      %dma_wait3A_33 = tpu.memref_squeeze %dma_wait3A_32 : memref<1x79x128xi32, #tpu.memory_space<hbm>> -> memref<79x128xi32, #tpu.memory_space<hbm>>
      tpu.wait_dma2 semaphore(%run_scoped3A : memref<!tpu.dma_semaphore, #tpu.memory_space<semaphore_mem>>) src(%dma_wait3A_33 : memref<79x128xi32, #tpu.memory_space<hbm>>) dst(%arg6 : memref<79x128xi32, #tpu.memory_space<vmem>>)
      tpu.yield
    }) : () -> ()
    "tpu.region"() ({
      %run_scoped3A = tpu.sem_alloc : memref<!tpu.dma_semaphore, #tpu.memory_space<semaphore_mem>>
      %dma_start3A = arith.constant 0 : i32
      %dma_start3A_20 = arith.constant 0 : i32
      %dma_start3A_21 = tpu.memref_slice %arg4[%add3A, %dma_start3A, %dma_start3A_20] : memref<32x79x128xi32, #tpu.memory_space<hbm>> -> memref<1x79x128xi32, #tpu.memory_space<hbm>>
      %dma_start3A_22 = tpu.memref_squeeze %dma_start3A_21 : memref<1x79x128xi32, #tpu.memory_space<hbm>> -> memref<79x128xi32, #tpu.memory_space<hbm>>
      %dma_start3A_23 = arith.constant 0 : i32
      %dma_start3A_24 = arith.constant 0 : i32
      %dma_start3A_25 = tpu.memref_slice %arg4[%add3A, %dma_start3A_23, %dma_start3A_24] : memref<32x79x128xi32, #tpu.memory_space<hbm>> -> memref<1x79x128xi32, #tpu.memory_space<hbm>>
      %dma_start3A_26 = tpu.memref_squeeze %dma_start3A_25 : memref<1x79x128xi32, #tpu.memory_space<hbm>> -> memref<79x128xi32, #tpu.memory_space<hbm>>
      tpu.enqueue_dma source(%dma_start3A_26 : memref<79x128xi32, #tpu.memory_space<hbm>>) target(%arg7 : memref<79x128xi32, #tpu.memory_space<vmem>>) target_semaphore(%run_scoped3A : memref<!tpu.dma_semaphore, #tpu.memory_space<semaphore_mem>>)
      %dma_wait3A = arith.constant 0 : i32
      %dma_wait3A_27 = arith.constant 0 : i32
      %dma_wait3A_28 = tpu.memref_slice %arg4[%add3A, %dma_wait3A, %dma_wait3A_27] : memref<32x79x128xi32, #tpu.memory_space<hbm>> -> memref<1x79x128xi32, #tpu.memory_space<hbm>>
      %dma_wait3A_29 = tpu.memref_squeeze %dma_wait3A_28 : memref<1x79x128xi32, #tpu.memory_space<hbm>> -> memref<79x128xi32, #tpu.memory_space<hbm>>
      %dma_wait3A_30 = arith.constant 0 : i32
      %dma_wait3A_31 = arith.constant 0 : i32
      %dma_wait3A_32 = tpu.memref_slice %arg4[%add3A, %dma_wait3A_30, %dma_wait3A_31] : memref<32x79x128xi32, #tpu.memory_space<hbm>> -> memref<1x79x128xi32, #tpu.memory_space<hbm>>
      %dma_wait3A_33 = tpu.memref_squeeze %dma_wait3A_32 : memref<1x79x128xi32, #tpu.memory_space<hbm>> -> memref<79x128xi32, #tpu.memory_space<hbm>>
      tpu.wait_dma2 semaphore(%run_scoped3A : memref<!tpu.dma_semaphore, #tpu.memory_space<semaphore_mem>>) src(%dma_wait3A_33 : memref<79x128xi32, #tpu.memory_space<hbm>>) dst(%arg7 : memref<79x128xi32, #tpu.memory_space<vmem>>)
      tpu.yield
    }) : () -> ()
    %barrier3A = arith.constant 0 : index
    tpu.barrier barrier_id(%barrier3A)
    %scan3A_10 = arith.constant 0 : i32
    %scan3A_11 = arith.constant 79 : i32
    %scan3A_12 = arith.addi %scan3A_10, %scan3A_11 : i32
    %scan3A_13 = arith.constant 1 : i32
    scf.for %scan3A_20 = %scan3A_10 to %scan3A_12 step %scan3A_13  : i32 {
      %mul3A_21 = arith.constant 1 : i32
      %mul3A_22 = arith.muli %scan3A_20, %mul3A_21 : i32
      %add3A_23 = arith.constant 0 : i32
      %add3A_24 = arith.addi %add3A_23, %mul3A_22 : i32
      "tpu.region"() ({
        %run_scoped3A = tpu.sem_alloc : memref<!tpu.dma_semaphore, #tpu.memory_space<semaphore_mem>>
        %dma_start3A = arith.constant 0 : i32
        %dma_start3A_25 = tpu.memref_slice %arg6[%add3A_24, %dma_start3A] : memref<79x128xi32, #tpu.memory_space<vmem>> -> memref<1x128xi32, #tpu.memory_space<vmem>>
        %dma_start3A_26 = tpu.memref_squeeze %dma_start3A_25 : memref<1x128xi32, #tpu.memory_space<vmem>> -> memref<128xi32, #tpu.memory_space<vmem>>
        %dma_start3A_27 = arith.constant 0 : i32
        %dma_start3A_28 = arith.constant 0 : i32
        %dma_start3A_29 = tpu.memref_slice %arg2[%dma_start3A_27, %dma_start3A_28] : memref<10240x128xf32, #tpu.memory_space<hbm>> -> memref<10240x128xf32, #tpu.memory_space<hbm>>
        tpu.enqueue_indirect_dma source(%dma_start3A_29 : memref<10240x128xf32, #tpu.memory_space<hbm>>) target(%arg8 : memref<128x128xf32, #tpu.memory_space<vmem>>) offsets(%dma_start3A_26 : memref<128xi32, #tpu.memory_space<vmem>>) semaphore(%run_scoped3A : memref<!tpu.dma_semaphore, #tpu.memory_space<semaphore_mem>>)
        %dma_wait3A = arith.constant 0 : i32
        %dma_wait3A_30 = tpu.memref_slice %arg6[%add3A_24, %dma_wait3A] : memref<79x128xi32, #tpu.memory_space<vmem>> -> memref<1x128xi32, #tpu.memory_space<vmem>>
        %dma_wait3A_31 = tpu.memref_squeeze %dma_wait3A_30 : memref<1x128xi32, #tpu.memory_space<vmem>> -> memref<128xi32, #tpu.memory_space<vmem>>
        %dma_wait3A_32 = arith.constant 0 : i32
        %dma_wait3A_33 = arith.constant 0 : i32
        %dma_wait3A_34 = tpu.memref_slice %arg2[%dma_wait3A_32, %dma_wait3A_33] : memref<10240x128xf32, #tpu.memory_space<hbm>> -> memref<10240x128xf32, #tpu.memory_space<hbm>>
        tpu.wait_indirect_dma semaphore(%run_scoped3A : memref<!tpu.dma_semaphore, #tpu.memory_space<semaphore_mem>>) src(%dma_wait3A_34 : memref<10240x128xf32, #tpu.memory_space<hbm>>) dst(%arg8 : memref<128x128xf32, #tpu.memory_space<vmem>>)
        tpu.yield
      }) : () -> ()
      "tpu.region"() ({
        %run_scoped3A = tpu.sem_alloc : memref<!tpu.dma_semaphore, #tpu.memory_space<semaphore_mem>>
        %dma_start3A = arith.constant 0 : i32
        %dma_start3A_25 = tpu.memref_slice %arg7[%add3A_24, %dma_start3A] : memref<79x128xi32, #tpu.memory_space<vmem>> -> memref<1x128xi32, #tpu.memory_space<vmem>>
        %dma_start3A_26 = tpu.memref_squeeze %dma_start3A_25 : memref<1x128xi32, #tpu.memory_space<vmem>> -> memref<128xi32, #tpu.memory_space<vmem>>
        %dma_start3A_27 = arith.constant 0 : i32
        %dma_start3A_28 = arith.constant 0 : i32
        %dma_start3A_29 = tpu.memref_slice %arg10[%dma_start3A_27, %dma_start3A_28] : memref<10240x128xf32, #tpu.memory_space<vmem_shared>> -> memref<10240x128xf32, #tpu.memory_space<vmem_shared>>
        tpu.enqueue_indirect_dma source(%arg8 : memref<128x128xf32, #tpu.memory_space<vmem>>) target(%dma_start3A_29 : memref<10240x128xf32, #tpu.memory_space<vmem_shared>>) offsets(%dma_start3A_26 : memref<128xi32, #tpu.memory_space<vmem>>) semaphore(%run_scoped3A : memref<!tpu.dma_semaphore, #tpu.memory_space<semaphore_mem>>) {add = true}
        %dma_wait3A = arith.constant 0 : i32
        %dma_wait3A_30 = tpu.memref_slice %arg7[%add3A_24, %dma_wait3A] : memref<79x128xi32, #tpu.memory_space<vmem>> -> memref<1x128xi32, #tpu.memory_space<vmem>>
        %dma_wait3A_31 = tpu.memref_squeeze %dma_wait3A_30 : memref<1x128xi32, #tpu.memory_space<vmem>> -> memref<128xi32, #tpu.memory_space<vmem>>
        %dma_wait3A_32 = arith.constant 0 : i32
        %dma_wait3A_33 = arith.constant 0 : i32
        %dma_wait3A_34 = tpu.memref_slice %arg10[%dma_wait3A_32, %dma_wait3A_33] : memref<10240x128xf32, #tpu.memory_space<vmem_shared>> -> memref<10240x128xf32, #tpu.memory_space<vmem_shared>>
        tpu.wait_indirect_dma semaphore(%run_scoped3A : memref<!tpu.dma_semaphore, #tpu.memory_space<semaphore_mem>>) src(%arg8 : memref<128x128xf32, #tpu.memory_space<vmem>>) dst(%dma_wait3A_34 : memref<10240x128xf32, #tpu.memory_space<vmem_shared>>)
        tpu.yield
      }) : () -> ()
    }
    %scan3A_14 = arith.constant 79 : i32
    %barrier3A_15 = arith.constant 0 : index
    tpu.barrier barrier_id(%barrier3A_15)
    %mul3A_16 = arith.constant 640 : i32
    %mul3A_17 = arith.muli %arg1, %mul3A_16 : i32
    %mul3A_18 = arith.constant 640 : i32
    %mul3A_19 = arith.muli %arg1, %mul3A_18 : i32
    "tpu.region"() ({
      %run_scoped3A = tpu.sem_alloc : memref<!tpu.dma_semaphore, #tpu.memory_space<semaphore_mem>>
      %dma_start3A = arith.constant 0 : i32
      %dma_start3A_20 = tpu.memref_slice %arg5[%arg0, %mul3A_19, %dma_start3A] : memref<2x10240x128xf32, #tpu.memory_space<hbm>> -> memref<1x640x128xf32, #tpu.memory_space<hbm>>
      %dma_start3A_21 = tpu.memref_squeeze %dma_start3A_20 : memref<1x640x128xf32, #tpu.memory_space<hbm>> -> memref<640x128xf32, #tpu.memory_space<hbm>>
      %dma_start3A_22 = arith.constant 0 : i32
      %dma_start3A_23 = tpu.memref_slice %arg10[%mul3A_17, %dma_start3A_22] : memref<10240x128xf32, #tpu.memory_space<vmem_shared>> -> memref<640x128xf32, #tpu.memory_space<vmem_shared>>
      tpu.enqueue_dma source(%dma_start3A_23 : memref<640x128xf32, #tpu.memory_space<vmem_shared>>) target(%dma_start3A_21 : memref<640x128xf32, #tpu.memory_space<hbm>>) target_semaphore(%run_scoped3A : memref<!tpu.dma_semaphore, #tpu.memory_space<semaphore_mem>>)
      %dma_wait3A = arith.constant 0 : i32
      %dma_wait3A_24 = tpu.memref_slice %arg5[%arg0, %mul3A_19, %dma_wait3A] : memref<2x10240x128xf32, #tpu.memory_space<hbm>> -> memref<1x640x128xf32, #tpu.memory_space<hbm>>
      %dma_wait3A_25 = tpu.memref_squeeze %dma_wait3A_24 : memref<1x640x128xf32, #tpu.memory_space<hbm>> -> memref<640x128xf32, #tpu.memory_space<hbm>>
      %dma_wait3A_26 = arith.constant 0 : i32
      %dma_wait3A_27 = tpu.memref_slice %arg10[%mul3A_17, %dma_wait3A_26] : memref<10240x128xf32, #tpu.memory_space<vmem_shared>> -> memref<640x128xf32, #tpu.memory_space<vmem_shared>>
      tpu.wait_dma2 semaphore(%run_scoped3A : memref<!tpu.dma_semaphore, #tpu.memory_space<semaphore_mem>>) src(%dma_wait3A_27 : memref<640x128xf32, #tpu.memory_space<vmem_shared>>) dst(%dma_wait3A_25 : memref<640x128xf32, #tpu.memory_space<hbm>>)
      tpu.yield
    }) : () -> ()
    return
  }
}

#map = affine_map<(d0, d1) -> (0, 0)>
#map1 = affine_map<(d0, d1) -> (0, 0, 0)>
module attributes {stable_mosaic.version = 14 : i64} {
  func.func @_sc_aggregate(%arg0: i32, %arg1: i32, %arg2: memref<10240x128xf32, #tpu.memory_space<hbm>>, %arg3: memref<32x79x128xi32, #tpu.memory_space<hbm>>, %arg4: memref<32x79x128xi32, #tpu.memory_space<hbm>>, %arg5: memref<2x10240x128xf32, #tpu.memory_space<hbm>>, %arg6: memref<79x128xi32, #tpu.memory_space<vmem>>, %arg7: memref<79x128xi32, #tpu.memory_space<vmem>>, %arg8: memref<128x128xf32, #tpu.memory_space<vmem>>, %arg9: memref<64x128xf32, #tpu.memory_space<vmem>>, %arg10: memref<10240x128xf32, #tpu.memory_space<vmem_shared>>) attributes {dimension_semantics = [#tpu.dimension_semantics<core_parallel>, #tpu.dimension_semantics<subcore_parallel>], iteration_bounds = array<i64: 2, 16>, scalar_prefetch = 0 : i64, scratch_operands = 5 : i64, tpu.core_type = #tpu.core_type<sc_vector_subcore>, window_params = [{transform_indices = #map}, {transform_indices = #map1}, {transform_indices = #map1}, {transform_indices = #map1}]} {
    %mul3A = arith.constant 16 : i32
    %mul3A_0 = arith.muli %arg0, %mul3A : i32
    %add3A = arith.addi %mul3A_0, %arg1 : i32
    %scan3A = arith.constant 0 : i32
    %scan3A_1 = arith.constant 64 : i32
    %scan3A_2 = arith.addi %scan3A, %scan3A_1 : i32
    %scan3A_3 = arith.constant 1 : i32
    scf.for %scan3A_20 = %scan3A to %scan3A_2 step %scan3A_3  : i32 {
      %mul3A_21 = arith.constant 1 : i32
      %mul3A_22 = arith.muli %scan3A_20, %mul3A_21 : i32
      %add3A_23 = arith.constant 0 : i32
      %add3A_24 = arith.addi %add3A_23, %mul3A_22 : i32
      %scan3A_25 = arith.constant 0 : i32
      %scan3A_26 = arith.constant 8 : i32
      %scan3A_27 = arith.addi %scan3A_25, %scan3A_26 : i32
      %scan3A_28 = arith.constant 1 : i32
      scf.for %scan3A_30 = %scan3A_25 to %scan3A_27 step %scan3A_28  : i32 {
        %mul3A_31 = arith.constant 16 : i32
        %mul3A_32 = arith.muli %scan3A_30, %mul3A_31 : i32
        %add3A_33 = arith.constant 0 : i32
        %add3A_34 = arith.addi %add3A_33, %mul3A_32 : i32
        %broadcast_in_dim3A = arith.constant 0.000000e+00 : f32
        %broadcast_in_dim3A_35 = vector.broadcast %broadcast_in_dim3A : f32 to vector<16xf32>
        %swap3A = arith.index_cast %add3A_24 : i32 to index
        %swap3A_36 = arith.index_cast %add3A_34 : i32 to index
        %swap3A_37 = tpu.vector_load %arg9[%swap3A, %swap3A_36] {strides = array<i32>} : memref<64x128xf32, #tpu.memory_space<vmem>>, vector<1x16xf32>,
        %swap3A_38 = vector.shape_cast %swap3A_37 : vector<1x16xf32> to vector<16xf32>
        %swap3A_39 = vector.shape_cast %broadcast_in_dim3A_35 : vector<16xf32> to vector<1x16xf32>
        tpu.vector_store %arg9[%swap3A, %swap3A_36], %swap3A_39 {strides = array<i32>} : memref<64x128xf32, #tpu.memory_space<vmem>>, vector<1x16xf32>,
      }
      %scan3A_29 = arith.constant 8 : i32
    }
    %scan3A_4 = arith.constant 64 : i32
    %scan3A_5 = arith.constant 0 : i32
    %scan3A_6 = arith.constant 10 : i32
    %scan3A_7 = arith.addi %scan3A_5, %scan3A_6 : i32
    %scan3A_8 = arith.constant 1 : i32
    scf.for %scan3A_20 = %scan3A_5 to %scan3A_7 step %scan3A_8  : i32 {
      %mul3A_21 = arith.constant 1 : i32
      %mul3A_22 = arith.muli %scan3A_20, %mul3A_21 : i32
      %add3A_23 = arith.constant 0 : i32
      %add3A_24 = arith.addi %add3A_23, %mul3A_22 : i32
      %mul3A_25 = arith.constant 640 : i32
      %mul3A_26 = arith.muli %arg1, %mul3A_25 : i32
      %mul3A_27 = arith.constant 64 : i32
      %mul3A_28 = arith.muli %add3A_24, %mul3A_27 : i32
      %add3A_29 = arith.addi %mul3A_26, %mul3A_28 : i32
      "tpu.region"() ({
        %run_scoped3A = tpu.sem_alloc : memref<!tpu.dma_semaphore, #tpu.memory_space<semaphore_mem>>
        %dma_start3A = arith.constant 0 : i32
        %dma_start3A_30 = tpu.memref_slice %arg10[%add3A_29, %dma_start3A] : memref<10240x128xf32, #tpu.memory_space<vmem_shared>> -> memref<64x128xf32, #tpu.memory_space<vmem_shared>>
        %dma_start3A_31 = arith.constant 0 : i32
        %dma_start3A_32 = tpu.memref_slice %arg10[%add3A_29, %dma_start3A_31] : memref<10240x128xf32, #tpu.memory_space<vmem_shared>> -> memref<64x128xf32, #tpu.memory_space<vmem_shared>>
        tpu.enqueue_dma source(%arg9 : memref<64x128xf32, #tpu.memory_space<vmem>>) target(%dma_start3A_32 : memref<64x128xf32, #tpu.memory_space<vmem_shared>>) target_semaphore(%run_scoped3A : memref<!tpu.dma_semaphore, #tpu.memory_space<semaphore_mem>>)
        %dma_wait3A = arith.constant 0 : i32
        %dma_wait3A_33 = tpu.memref_slice %arg10[%add3A_29, %dma_wait3A] : memref<10240x128xf32, #tpu.memory_space<vmem_shared>> -> memref<64x128xf32, #tpu.memory_space<vmem_shared>>
        %dma_wait3A_34 = arith.constant 0 : i32
        %dma_wait3A_35 = tpu.memref_slice %arg10[%add3A_29, %dma_wait3A_34] : memref<10240x128xf32, #tpu.memory_space<vmem_shared>> -> memref<64x128xf32, #tpu.memory_space<vmem_shared>>
        tpu.wait_dma2 semaphore(%run_scoped3A : memref<!tpu.dma_semaphore, #tpu.memory_space<semaphore_mem>>) src(%arg9 : memref<64x128xf32, #tpu.memory_space<vmem>>) dst(%dma_wait3A_35 : memref<64x128xf32, #tpu.memory_space<vmem_shared>>)
        tpu.yield
      }) : () -> ()
    }
    %scan3A_9 = arith.constant 10 : i32
    "tpu.region"() ({
      %run_scoped3A = tpu.sem_alloc : memref<!tpu.dma_semaphore, #tpu.memory_space<semaphore_mem>>
      %dma_start3A = arith.constant 0 : i32
      %dma_start3A_20 = arith.constant 0 : i32
      %dma_start3A_21 = tpu.memref_slice %arg3[%add3A, %dma_start3A, %dma_start3A_20] : memref<32x79x128xi32, #tpu.memory_space<hbm>> -> memref<1x79x128xi32, #tpu.memory_space<hbm>>
      %dma_start3A_22 = tpu.memref_squeeze %dma_start3A_21 : memref<1x79x128xi32, #tpu.memory_space<hbm>> -> memref<79x128xi32, #tpu.memory_space<hbm>>
      %dma_start3A_23 = arith.constant 0 : i32
      %dma_start3A_24 = arith.constant 0 : i32
      %dma_start3A_25 = tpu.memref_slice %arg3[%add3A, %dma_start3A_23, %dma_start3A_24] : memref<32x79x128xi32, #tpu.memory_space<hbm>> -> memref<1x79x128xi32, #tpu.memory_space<hbm>>
      %dma_start3A_26 = tpu.memref_squeeze %dma_start3A_25 : memref<1x79x128xi32, #tpu.memory_space<hbm>> -> memref<79x128xi32, #tpu.memory_space<hbm>>
      tpu.enqueue_dma source(%dma_start3A_26 : memref<79x128xi32, #tpu.memory_space<hbm>>) target(%arg6 : memref<79x128xi32, #tpu.memory_space<vmem>>) target_semaphore(%run_scoped3A : memref<!tpu.dma_semaphore, #tpu.memory_space<semaphore_mem>>)
      %dma_wait3A = arith.constant 0 : i32
      %dma_wait3A_27 = arith.constant 0 : i32
      %dma_wait3A_28 = tpu.memref_slice %arg3[%add3A, %dma_wait3A, %dma_wait3A_27] : memref<32x79x128xi32, #tpu.memory_space<hbm>> -> memref<1x79x128xi32, #tpu.memory_space<hbm>>
      %dma_wait3A_29 = tpu.memref_squeeze %dma_wait3A_28 : memref<1x79x128xi32, #tpu.memory_space<hbm>> -> memref<79x128xi32, #tpu.memory_space<hbm>>
      %dma_wait3A_30 = arith.constant 0 : i32
      %dma_wait3A_31 = arith.constant 0 : i32
      %dma_wait3A_32 = tpu.memref_slice %arg3[%add3A, %dma_wait3A_30, %dma_wait3A_31] : memref<32x79x128xi32, #tpu.memory_space<hbm>> -> memref<1x79x128xi32, #tpu.memory_space<hbm>>
      %dma_wait3A_33 = tpu.memref_squeeze %dma_wait3A_32 : memref<1x79x128xi32, #tpu.memory_space<hbm>> -> memref<79x128xi32, #tpu.memory_space<hbm>>
      tpu.wait_dma2 semaphore(%run_scoped3A : memref<!tpu.dma_semaphore, #tpu.memory_space<semaphore_mem>>) src(%dma_wait3A_33 : memref<79x128xi32, #tpu.memory_space<hbm>>) dst(%arg6 : memref<79x128xi32, #tpu.memory_space<vmem>>)
      tpu.yield
    }) : () -> ()
    "tpu.region"() ({
      %run_scoped3A = tpu.sem_alloc : memref<!tpu.dma_semaphore, #tpu.memory_space<semaphore_mem>>
      %dma_start3A = arith.constant 0 : i32
      %dma_start3A_20 = arith.constant 0 : i32
      %dma_start3A_21 = tpu.memref_slice %arg4[%add3A, %dma_start3A, %dma_start3A_20] : memref<32x79x128xi32, #tpu.memory_space<hbm>> -> memref<1x79x128xi32, #tpu.memory_space<hbm>>
      %dma_start3A_22 = tpu.memref_squeeze %dma_start3A_21 : memref<1x79x128xi32, #tpu.memory_space<hbm>> -> memref<79x128xi32, #tpu.memory_space<hbm>>
      %dma_start3A_23 = arith.constant 0 : i32
      %dma_start3A_24 = arith.constant 0 : i32
      %dma_start3A_25 = tpu.memref_slice %arg4[%add3A, %dma_start3A_23, %dma_start3A_24] : memref<32x79x128xi32, #tpu.memory_space<hbm>> -> memref<1x79x128xi32, #tpu.memory_space<hbm>>
      %dma_start3A_26 = tpu.memref_squeeze %dma_start3A_25 : memref<1x79x128xi32, #tpu.memory_space<hbm>> -> memref<79x128xi32, #tpu.memory_space<hbm>>
      tpu.enqueue_dma source(%dma_start3A_26 : memref<79x128xi32, #tpu.memory_space<hbm>>) target(%arg7 : memref<79x128xi32, #tpu.memory_space<vmem>>) target_semaphore(%run_scoped3A : memref<!tpu.dma_semaphore, #tpu.memory_space<semaphore_mem>>)
      %dma_wait3A = arith.constant 0 : i32
      %dma_wait3A_27 = arith.constant 0 : i32
      %dma_wait3A_28 = tpu.memref_slice %arg4[%add3A, %dma_wait3A, %dma_wait3A_27] : memref<32x79x128xi32, #tpu.memory_space<hbm>> -> memref<1x79x128xi32, #tpu.memory_space<hbm>>
      %dma_wait3A_29 = tpu.memref_squeeze %dma_wait3A_28 : memref<1x79x128xi32, #tpu.memory_space<hbm>> -> memref<79x128xi32, #tpu.memory_space<hbm>>
      %dma_wait3A_30 = arith.constant 0 : i32
      %dma_wait3A_31 = arith.constant 0 : i32
      %dma_wait3A_32 = tpu.memref_slice %arg4[%add3A, %dma_wait3A_30, %dma_wait3A_31] : memref<32x79x128xi32, #tpu.memory_space<hbm>> -> memref<1x79x128xi32, #tpu.memory_space<hbm>>
      %dma_wait3A_33 = tpu.memref_squeeze %dma_wait3A_32 : memref<1x79x128xi32, #tpu.memory_space<hbm>> -> memref<79x128xi32, #tpu.memory_space<hbm>>
      tpu.wait_dma2 semaphore(%run_scoped3A : memref<!tpu.dma_semaphore, #tpu.memory_space<semaphore_mem>>) src(%dma_wait3A_33 : memref<79x128xi32, #tpu.memory_space<hbm>>) dst(%arg7 : memref<79x128xi32, #tpu.memory_space<vmem>>)
      tpu.yield
    }) : () -> ()
    %barrier3A = arith.constant 0 : index
    tpu.barrier barrier_id(%barrier3A)
    %scan3A_10 = arith.constant 0 : i32
    %scan3A_11 = arith.constant 79 : i32
    %scan3A_12 = arith.addi %scan3A_10, %scan3A_11 : i32
    %scan3A_13 = arith.constant 1 : i32
    scf.for %scan3A_20 = %scan3A_10 to %scan3A_12 step %scan3A_13  : i32 {
      %mul3A_21 = arith.constant 1 : i32
      %mul3A_22 = arith.muli %scan3A_20, %mul3A_21 : i32
      %add3A_23 = arith.constant 0 : i32
      %add3A_24 = arith.addi %add3A_23, %mul3A_22 : i32
      "tpu.region"() ({
        %run_scoped3A = tpu.sem_alloc : memref<!tpu.dma_semaphore, #tpu.memory_space<semaphore_mem>>
        %dma_start3A = arith.constant 0 : i32
        %dma_start3A_25 = tpu.memref_slice %arg6[%add3A_24, %dma_start3A] : memref<79x128xi32, #tpu.memory_space<vmem>> -> memref<1x128xi32, #tpu.memory_space<vmem>>
        %dma_start3A_26 = tpu.memref_squeeze %dma_start3A_25 : memref<1x128xi32, #tpu.memory_space<vmem>> -> memref<128xi32, #tpu.memory_space<vmem>>
        %dma_start3A_27 = arith.constant 0 : i32
        %dma_start3A_28 = arith.constant 0 : i32
        %dma_start3A_29 = tpu.memref_slice %arg2[%dma_start3A_27, %dma_start3A_28] : memref<10240x128xf32, #tpu.memory_space<hbm>> -> memref<10240x128xf32, #tpu.memory_space<hbm>>
        tpu.enqueue_indirect_dma source(%dma_start3A_29 : memref<10240x128xf32, #tpu.memory_space<hbm>>) target(%arg8 : memref<128x128xf32, #tpu.memory_space<vmem>>) offsets(%dma_start3A_26 : memref<128xi32, #tpu.memory_space<vmem>>) semaphore(%run_scoped3A : memref<!tpu.dma_semaphore, #tpu.memory_space<semaphore_mem>>)
        %dma_wait3A = arith.constant 0 : i32
        %dma_wait3A_30 = tpu.memref_slice %arg6[%add3A_24, %dma_wait3A] : memref<79x128xi32, #tpu.memory_space<vmem>> -> memref<1x128xi32, #tpu.memory_space<vmem>>
        %dma_wait3A_31 = tpu.memref_squeeze %dma_wait3A_30 : memref<1x128xi32, #tpu.memory_space<vmem>> -> memref<128xi32, #tpu.memory_space<vmem>>
        %dma_wait3A_32 = arith.constant 0 : i32
        %dma_wait3A_33 = arith.constant 0 : i32
        %dma_wait3A_34 = tpu.memref_slice %arg2[%dma_wait3A_32, %dma_wait3A_33] : memref<10240x128xf32, #tpu.memory_space<hbm>> -> memref<10240x128xf32, #tpu.memory_space<hbm>>
        tpu.wait_indirect_dma semaphore(%run_scoped3A : memref<!tpu.dma_semaphore, #tpu.memory_space<semaphore_mem>>) src(%dma_wait3A_34 : memref<10240x128xf32, #tpu.memory_space<hbm>>) dst(%arg8 : memref<128x128xf32, #tpu.memory_space<vmem>>)
        tpu.yield
      }) : () -> ()
      "tpu.region"() ({
        %run_scoped3A = tpu.sem_alloc : memref<!tpu.dma_semaphore, #tpu.memory_space<semaphore_mem>>
        %dma_start3A = arith.constant 0 : i32
        %dma_start3A_25 = tpu.memref_slice %arg7[%add3A_24, %dma_start3A] : memref<79x128xi32, #tpu.memory_space<vmem>> -> memref<1x128xi32, #tpu.memory_space<vmem>>
        %dma_start3A_26 = tpu.memref_squeeze %dma_start3A_25 : memref<1x128xi32, #tpu.memory_space<vmem>> -> memref<128xi32, #tpu.memory_space<vmem>>
        %dma_start3A_27 = arith.constant 0 : i32
        %dma_start3A_28 = arith.constant 0 : i32
        %dma_start3A_29 = tpu.memref_slice %arg10[%dma_start3A_27, %dma_start3A_28] : memref<10240x128xf32, #tpu.memory_space<vmem_shared>> -> memref<10240x128xf32, #tpu.memory_space<vmem_shared>>
        tpu.enqueue_indirect_dma source(%arg8 : memref<128x128xf32, #tpu.memory_space<vmem>>) target(%dma_start3A_29 : memref<10240x128xf32, #tpu.memory_space<vmem_shared>>) offsets(%dma_start3A_26 : memref<128xi32, #tpu.memory_space<vmem>>) semaphore(%run_scoped3A : memref<!tpu.dma_semaphore, #tpu.memory_space<semaphore_mem>>) {add = true}
        %dma_wait3A = arith.constant 0 : i32
        %dma_wait3A_30 = tpu.memref_slice %arg7[%add3A_24, %dma_wait3A] : memref<79x128xi32, #tpu.memory_space<vmem>> -> memref<1x128xi32, #tpu.memory_space<vmem>>
        %dma_wait3A_31 = tpu.memref_squeeze %dma_wait3A_30 : memref<1x128xi32, #tpu.memory_space<vmem>> -> memref<128xi32, #tpu.memory_space<vmem>>
        %dma_wait3A_32 = arith.constant 0 : i32
        %dma_wait3A_33 = arith.constant 0 : i32
        %dma_wait3A_34 = tpu.memref_slice %arg10[%dma_wait3A_32, %dma_wait3A_33] : memref<10240x128xf32, #tpu.memory_space<vmem_shared>> -> memref<10240x128xf32, #tpu.memory_space<vmem_shared>>
        tpu.wait_indirect_dma semaphore(%run_scoped3A : memref<!tpu.dma_semaphore, #tpu.memory_space<semaphore_mem>>) src(%arg8 : memref<128x128xf32, #tpu.memory_space<vmem>>) dst(%dma_wait3A_34 : memref<10240x128xf32, #tpu.memory_space<vmem_shared>>)
        tpu.yield
      }) : () -> ()
    }
    %scan3A_14 = arith.constant 79 : i32
    %barrier3A_15 = arith.constant 0 : index
    tpu.barrier barrier_id(%barrier3A_15)
    %mul3A_16 = arith.constant 640 : i32
    %mul3A_17 = arith.muli %arg1, %mul3A_16 : i32
    %mul3A_18 = arith.constant 640 : i32
    %mul3A_19 = arith.muli %arg1, %mul3A_18 : i32
    "tpu.region"() ({
      %run_scoped3A = tpu.sem_alloc : memref<!tpu.dma_semaphore, #tpu.memory_space<semaphore_mem>>
      %dma_start3A = arith.constant 0 : i32
      %dma_start3A_20 = tpu.memref_slice %arg5[%arg0, %mul3A_19, %dma_start3A] : memref<2x10240x128xf32, #tpu.memory_space<hbm>> -> memref<1x640x128xf32, #tpu.memory_space<hbm>>
      %dma_start3A_21 = tpu.memref_squeeze %dma_start3A_20 : memref<1x640x128xf32, #tpu.memory_space<hbm>> -> memref<640x128xf32, #tpu.memory_space<hbm>>
      %dma_start3A_22 = arith.constant 0 : i32
      %dma_start3A_23 = tpu.memref_slice %arg10[%mul3A_17, %dma_start3A_22] : memref<10240x128xf32, #tpu.memory_space<vmem_shared>> -> memref<640x128xf32, #tpu.memory_space<vmem_shared>>
      tpu.enqueue_dma source(%dma_start3A_23 : memref<640x128xf32, #tpu.memory_space<vmem_shared>>) target(%dma_start3A_21 : memref<640x128xf32, #tpu.memory_space<hbm>>) target_semaphore(%run_scoped3A : memref<!tpu.dma_semaphore, #tpu.memory_space<semaphore_mem>>)
      %dma_wait3A = arith.constant 0 : i32
      %dma_wait3A_24 = tpu.memref_slice %arg5[%arg0, %mul3A_19, %dma_wait3A] : memref<2x10240x128xf32, #tpu.memory_space<hbm>> -> memref<1x640x128xf32, #tpu.memory_space<hbm>>
      %dma_wait3A_25 = tpu.memref_squeeze %dma_wait3A_24 : memref<1x640x128xf32, #tpu.memory_space<hbm>> -> memref<640x128xf32, #tpu.memory_space<hbm>>
      %dma_wait3A_26 = arith.constant 0 : i32
      %dma_wait3A_27 = tpu.memref_slice %arg10[%mul3A_17, %dma_wait3A_26] : memref<10240x128xf32, #tpu.memory_space<vmem_shared>> -> memref<640x128xf32, #tpu.memory_space<vmem_shared>>
      tpu.wait_dma2 semaphore(%run_scoped3A : memref<!tpu.dma_semaphore, #tpu.memory_space<semaphore_mem>>) src(%dma_wait3A_27 : memref<640x128xf32, #tpu.memory_space<vmem_shared>>) dst(%dma_wait3A_25 : memref<640x128xf32, #tpu.memory_space<hbm>>)
      tpu.yield
    }) : () -> ()
    return
  }
}

module attributes {stable_mosaic.version = 14 : i64} {
  func.func @_prep_body(%arg0: i32, %arg1: memref<2x2x1024x1xf32, #tpu.memory_space<vmem>>, %arg2: memref<1024x128xf32, #tpu.memory_space<vmem>>, %arg3: memref<128x128xf32, #tpu.memory_space<vmem>>, %arg4: memref<1024x128xf32, #tpu.memory_space<vmem>>, %arg5: memref<1024x1xf32, #tpu.memory_space<vmem>>, %arg6: memref<1024x1xf32, #tpu.memory_space<vmem>>, %arg7: memref<1024x1xf32, #tpu.memory_space<vmem>>) attributes {dimension_semantics = [#tpu.dimension_semantics<arbitrary>], iteration_bounds = array<i64: 10>, scalar_prefetch = 0 : i64, scratch_operands = 0 : i64, tpu.core_type = #tpu.core_type<tc>, window_params = [{transform_indices = @transform_0, window_bounds = array<i64: 2, 2, 1024, 1>}, {transform_indices = @transform_1, window_bounds = array<i64: 1024, 128>}, {pipeline_mode = #tpu.pipeline_mode<synchronous>, transform_indices = @transform_2, window_bounds = array<i64: 128, 128>}, {transform_indices = @transform_3, window_bounds = array<i64: 1024, 128>}, {transform_indices = @transform_4, window_bounds = array<i64: 1024, 1>}, {transform_indices = @transform_5, window_bounds = array<i64: 1024, 1>}, {transform_indices = @transform_6, window_bounds = array<i64: 1024, 1>}]} {
    %get3A = arith.constant 0 : index
    %get3A_0 = arith.constant 0 : index
    %get3A_1 = arith.constant 0 : index
    %get3A_2 = arith.constant 0 : index
    %get3A_3 = vector.load %arg1[%get3A, %get3A_0, %get3A_1, %get3A_2] : memref<2x2x1024x1xf32, #tpu.memory_space<vmem>>, vector<1x1x1024x1xf32>
    %get3A_4 = vector.shape_cast %get3A_3 : vector<1x1x1024x1xf32> to vector<1024x1xf32>
    %get3A_5 = arith.constant 1 : index
    %get3A_6 = arith.constant 0 : index
    %get3A_7 = arith.constant 0 : index
    %get3A_8 = arith.constant 0 : index
    %get3A_9 = vector.load %arg1[%get3A_5, %get3A_6, %get3A_7, %get3A_8] : memref<2x2x1024x1xf32, #tpu.memory_space<vmem>>, vector<1x1x1024x1xf32>
    %get3A_10 = vector.shape_cast %get3A_9 : vector<1x1x1024x1xf32> to vector<1024x1xf32>
    %add3A = arith.addf %get3A_4, %get3A_10 : vector<1024x1xf32>
    %get3A_11 = arith.constant 0 : index
    %get3A_12 = arith.constant 1 : index
    %get3A_13 = arith.constant 0 : index
    %get3A_14 = arith.constant 0 : index
    %get3A_15 = vector.load %arg1[%get3A_11, %get3A_12, %get3A_13, %get3A_14] : memref<2x2x1024x1xf32, #tpu.memory_space<vmem>>, vector<1x1x1024x1xf32>
    %get3A_16 = vector.shape_cast %get3A_15 : vector<1x1x1024x1xf32> to vector<1024x1xf32>
    %get3A_17 = arith.constant 1 : index
    %get3A_18 = arith.constant 1 : index
    %get3A_19 = arith.constant 0 : index
    %get3A_20 = arith.constant 0 : index
    %get3A_21 = vector.load %arg1[%get3A_17, %get3A_18, %get3A_19, %get3A_20] : memref<2x2x1024x1xf32, #tpu.memory_space<vmem>>, vector<1x1x1024x1xf32>
    %get3A_22 = vector.shape_cast %get3A_21 : vector<1x1x1024x1xf32> to vector<1024x1xf32>
    %add3A_23 = arith.addf %get3A_16, %get3A_22 : vector<1024x1xf32>
    %max3A = arith.constant 1.000000e+00 : f32
    %max3A_24 = vector.broadcast %max3A : f32 to vector<1024x1xf32>
    %max3A_25 = arith.maximumf %add3A, %max3A_24 : vector<1024x1xf32>
    %rsqrt3A = math.rsqrt %max3A_25 : vector<1024x1xf32>
    %max3A_26 = arith.constant 1.000000e+00 : f32
    %max3A_27 = vector.broadcast %max3A_26 : f32 to vector<1024x1xf32>
    %max3A_28 = arith.maximumf %add3A_23, %max3A_27 : vector<1024x1xf32>
    %rsqrt3A_29 = math.rsqrt %max3A_28 : vector<1024x1xf32>
    %swap3A = arith.constant 0 : index
    %swap3A_30 = arith.constant 0 : index
    %swap3A_31 = vector.load %arg5[%swap3A, %swap3A_30] : memref<1024x1xf32, #tpu.memory_space<vmem>>, vector<1024x1xf32>
    tpu.vector_store %arg5[%swap3A, %swap3A_30], %rsqrt3A {strides = array<i32>} : memref<1024x1xf32, #tpu.memory_space<vmem>>, vector<1024x1xf32>,
    %swap3A_32 = arith.constant 0 : index
    %swap3A_33 = arith.constant 0 : index
    %swap3A_34 = vector.load %arg7[%swap3A_32, %swap3A_33] : memref<1024x1xf32, #tpu.memory_space<vmem>>, vector<1024x1xf32>
    tpu.vector_store %arg7[%swap3A_32, %swap3A_33], %rsqrt3A_29 {strides = array<i32>} : memref<1024x1xf32, #tpu.memory_space<vmem>>, vector<1024x1xf32>,
    %mul3A = arith.mulf %rsqrt3A, %rsqrt3A_29 : vector<1024x1xf32>
    %swap3A_35 = arith.constant 0 : index
    %swap3A_36 = arith.constant 0 : index
    %swap3A_37 = vector.load %arg6[%swap3A_35, %swap3A_36] : memref<1024x1xf32, #tpu.memory_space<vmem>>, vector<1024x1xf32>
    tpu.vector_store %arg6[%swap3A_35, %swap3A_36], %mul3A {strides = array<i32>} : memref<1024x1xf32, #tpu.memory_space<vmem>>, vector<1024x1xf32>,
    %get3A_38 = arith.constant 0 : index
    %get3A_39 = arith.constant 0 : index
    %get3A_40 = vector.load %arg2[%get3A_38, %get3A_39] : memref<1024x128xf32, #tpu.memory_space<vmem>>, vector<1024x128xf32>
    %mul3A_41 = vector.broadcast %rsqrt3A : vector<1024x1xf32> to vector<1024x128xf32>
    %mul3A_42 = arith.mulf %get3A_40, %mul3A_41 : vector<1024x128xf32>
    %get3A_43 = arith.constant 0 : index
    %get3A_44 = arith.constant 0 : index
    %get3A_45 = vector.load %arg3[%get3A_43, %get3A_44] : memref<128x128xf32, #tpu.memory_space<vmem>>, vector<128x128xf32>
    %dot_general3A = arith.constant dense<0.000000e+00> : vector<1024x128xf32>
    %dot_general3A_46 = tpu.matmul %mul3A_42, %get3A_45, %dot_general3A {dimension_numbers = #tpu.dot_dimension_numbers<[1], [0], [0], [1], [0, 0, 1, 1], [], []>, precision = #tpu.contract_precision<fp32>, transpose_lhs_hint = false} : vector<1024x128xf32>, vector<128x128xf32>, vector<1024x128xf32> -> vector<1024x128xf32>
    %swap3A_47 = arith.constant 0 : index
    %swap3A_48 = arith.constant 0 : index
    %swap3A_49 = vector.load %arg4[%swap3A_47, %swap3A_48] : memref<1024x128xf32, #tpu.memory_space<vmem>>, vector<1024x128xf32>
    tpu.vector_store %arg4[%swap3A_47, %swap3A_48], %dot_general3A_46 {strides = array<i32>} : memref<1024x128xf32, #tpu.memory_space<vmem>>, vector<1024x128xf32>,
    return
  }
  func.func @transform_0(%arg0: i32) -> (i32, i32, i32, i32) {
    %c0_i32 = arith.constant 0 : i32
    %c0_i32_0 = arith.constant 0 : i32
    %c0_i32_1 = arith.constant 0 : i32
    %c0_i32_2 = arith.constant 0 : i32
    return %c0_i32, %c0_i32_0, %arg0, %c0_i32_1 : i32, i32, i32, i32
  }
  func.func @transform_1(%arg0: i32) -> (i32, i32) {
    %c0_i32 = arith.constant 0 : i32
    %c0_i32_0 = arith.constant 0 : i32
    return %arg0, %c0_i32 : i32, i32
  }
  func.func @transform_2(%arg0: i32) -> (i32, i32) {
    %c0_i32 = arith.constant 0 : i32
    %c0_i32_0 = arith.constant 0 : i32
    %c0_i32_1 = arith.constant 0 : i32
    return %c0_i32, %c0_i32_0 : i32, i32
  }
  func.func @transform_3(%arg0: i32) -> (i32, i32) {
    %c0_i32 = arith.constant 0 : i32
    %c0_i32_0 = arith.constant 0 : i32
    return %arg0, %c0_i32 : i32, i32
  }
  func.func @transform_4(%arg0: i32) -> (i32, i32) {
    %c0_i32 = arith.constant 0 : i32
    %c0_i32_0 = arith.constant 0 : i32
    return %arg0, %c0_i32 : i32, i32
  }
  func.func @transform_5(%arg0: i32) -> (i32, i32) {
    %c0_i32 = arith.constant 0 : i32
    %c0_i32_0 = arith.constant 0 : i32
    return %arg0, %c0_i32 : i32, i32
  }
  func.func @transform_6(%arg0: i32) -> (i32, i32) {
    %c0_i32 = arith.constant 0 : i32
    %c0_i32_0 = arith.constant 0 : i32
    return %arg0, %c0_i32 : i32, i32
  }
}

module attributes {stable_mosaic.version = 14 : i64} {
  func.func @_layer_body(%arg0: i32, %arg1: memref<2x1024x128xf32, #tpu.memory_space<vmem>>, %arg2: memref<1024x1xf32, #tpu.memory_space<vmem>>, %arg3: memref<1024x1xf32, #tpu.memory_space<vmem>>, %arg4: memref<1x128xf32, #tpu.memory_space<vmem>>, %arg5: memref<128x128xf32, #tpu.memory_space<vmem>>, %arg6: memref<1024x128xf32, #tpu.memory_space<vmem>>) attributes {dimension_semantics = [#tpu.dimension_semantics<arbitrary>], iteration_bounds = array<i64: 10>, scalar_prefetch = 0 : i64, scratch_operands = 0 : i64, tpu.core_type = #tpu.core_type<tc>, window_params = [{transform_indices = @transform_0, window_bounds = array<i64: 2, 1024, 128>}, {transform_indices = @transform_1, window_bounds = array<i64: 1024, 1>}, {transform_indices = @transform_2, window_bounds = array<i64: 1024, 1>}, {pipeline_mode = #tpu.pipeline_mode<synchronous>, transform_indices = @transform_3, window_bounds = array<i64: 1, 128>}, {pipeline_mode = #tpu.pipeline_mode<synchronous>, transform_indices = @transform_4, window_bounds = array<i64: 128, 128>}, {transform_indices = @transform_5, window_bounds = array<i64: 1024, 128>}]} {
    %get3A = arith.constant 0 : index
    %get3A_0 = arith.constant 0 : index
    %get3A_1 = arith.constant 0 : index
    %get3A_2 = vector.load %arg1[%get3A, %get3A_0, %get3A_1] : memref<2x1024x128xf32, #tpu.memory_space<vmem>>, vector<1x1024x128xf32>
    %get3A_3 = vector.shape_cast %get3A_2 : vector<1x1024x128xf32> to vector<1024x128xf32>
    %get3A_4 = arith.constant 1 : index
    %get3A_5 = arith.constant 0 : index
    %get3A_6 = arith.constant 0 : index
    %get3A_7 = vector.load %arg1[%get3A_4, %get3A_5, %get3A_6] : memref<2x1024x128xf32, #tpu.memory_space<vmem>>, vector<1x1024x128xf32>
    %get3A_8 = vector.shape_cast %get3A_7 : vector<1x1024x128xf32> to vector<1024x128xf32>
    %add3A = arith.addf %get3A_3, %get3A_8 : vector<1024x128xf32>
    %get3A_9 = arith.constant 0 : index
    %get3A_10 = arith.constant 0 : index
    %get3A_11 = vector.load %arg2[%get3A_9, %get3A_10] : memref<1024x1xf32, #tpu.memory_space<vmem>>, vector<1024x1xf32>
    %mul3A = vector.broadcast %get3A_11 : vector<1024x1xf32> to vector<1024x128xf32>
    %mul3A_12 = arith.mulf %add3A, %mul3A : vector<1024x128xf32>
    %get3A_13 = arith.constant 0 : index
    %get3A_14 = arith.constant 0 : index
    %get3A_15 = vector.load %arg4[%get3A_13, %get3A_14] : memref<1x128xf32, #tpu.memory_space<vmem>>, vector<1x128xf32>
    %get3A_16 = arith.constant 0 : index
    %get3A_17 = arith.constant 0 : index
    %get3A_18 = vector.load %arg3[%get3A_16, %get3A_17] : memref<1024x1xf32, #tpu.memory_space<vmem>>, vector<1024x1xf32>
    %mul3A_19 = vector.broadcast %get3A_15 : vector<1x128xf32> to vector<1024x128xf32>
    %mul3A_20 = vector.broadcast %get3A_18 : vector<1024x1xf32> to vector<1024x128xf32>
    %mul3A_21 = arith.mulf %mul3A_19, %mul3A_20 : vector<1024x128xf32>
    %add3A_22 = arith.addf %mul3A_12, %mul3A_21 : vector<1024x128xf32>
    %max3A = arith.constant 0.000000e+00 : f32
    %max3A_23 = vector.broadcast %max3A : f32 to vector<1024x128xf32>
    %max3A_24 = arith.maximumf %add3A_22, %max3A_23 : vector<1024x128xf32>
    %get3A_25 = arith.constant 0 : index
    %get3A_26 = arith.constant 0 : index
    %get3A_27 = vector.load %arg5[%get3A_25, %get3A_26] : memref<128x128xf32, #tpu.memory_space<vmem>>, vector<128x128xf32>
    %dot_general3A = arith.constant dense<0.000000e+00> : vector<1024x128xf32>
    %dot_general3A_28 = tpu.matmul %max3A_24, %get3A_27, %dot_general3A {dimension_numbers = #tpu.dot_dimension_numbers<[1], [0], [0], [1], [0, 0, 1, 1], [], []>, precision = #tpu.contract_precision<fp32>, transpose_lhs_hint = false} : vector<1024x128xf32>, vector<128x128xf32>, vector<1024x128xf32> -> vector<1024x128xf32>
    %swap3A = arith.constant 0 : index
    %swap3A_29 = arith.constant 0 : index
    %swap3A_30 = vector.load %arg6[%swap3A, %swap3A_29] : memref<1024x128xf32, #tpu.memory_space<vmem>>, vector<1024x128xf32>
    tpu.vector_store %arg6[%swap3A, %swap3A_29], %dot_general3A_28 {strides = array<i32>} : memref<1024x128xf32, #tpu.memory_space<vmem>>, vector<1024x128xf32>,
    return
  }
  func.func @transform_0(%arg0: i32) -> (i32, i32, i32) {
    %c0_i32 = arith.constant 0 : i32
    %c0_i32_0 = arith.constant 0 : i32
    %c0_i32_1 = arith.constant 0 : i32
    return %c0_i32, %arg0, %c0_i32_0 : i32, i32, i32
  }
  func.func @transform_1(%arg0: i32) -> (i32, i32) {
    %c0_i32 = arith.constant 0 : i32
    %c0_i32_0 = arith.constant 0 : i32
    return %arg0, %c0_i32 : i32, i32
  }
  func.func @transform_2(%arg0: i32) -> (i32, i32) {
    %c0_i32 = arith.constant 0 : i32
    %c0_i32_0 = arith.constant 0 : i32
    return %arg0, %c0_i32 : i32, i32
  }
  func.func @transform_3(%arg0: i32) -> (i32, i32) {
    %c0_i32 = arith.constant 0 : i32
    %c0_i32_0 = arith.constant 0 : i32
    %c0_i32_1 = arith.constant 0 : i32
    return %c0_i32, %c0_i32_0 : i32, i32
  }
  func.func @transform_4(%arg0: i32) -> (i32, i32) {
    %c0_i32 = arith.constant 0 : i32
    %c0_i32_0 = arith.constant 0 : i32
    %c0_i32_1 = arith.constant 0 : i32
    return %c0_i32, %c0_i32_0 : i32, i32
  }
  func.func @transform_5(%arg0: i32) -> (i32, i32) {
    %c0_i32 = arith.constant 0 : i32
    %c0_i32_0 = arith.constant 0 : i32
    return %arg0, %c0_i32 : i32, i32
  }
}

module attributes {stable_mosaic.version = 14 : i64} {
  func.func @_final_body(%arg0: i32, %arg1: memref<2x1024x128xf32, #tpu.memory_space<vmem>>, %arg2: memref<1024x1xf32, #tpu.memory_space<vmem>>, %arg3: memref<1x128xf32, #tpu.memory_space<vmem>>, %arg4: memref<128x128xf32, #tpu.memory_space<vmem>>, %arg5: memref<1x128xf32, #tpu.memory_space<vmem>>, %arg6: memref<128x128xf32, #tpu.memory_space<vmem>>, %arg7: memref<1x128xf32, #tpu.memory_space<vmem>>, %arg8: memref<128x128xf32, #tpu.memory_space<vmem>>, %arg9: memref<1x128xf32, #tpu.memory_space<vmem>>, %arg10: memref<1x128xf32, #tpu.memory_space<vmem>>, %arg11: memref<1x128xf32, #tpu.memory_space<vmem>>) attributes {dimension_semantics = [#tpu.dimension_semantics<arbitrary>], iteration_bounds = array<i64: 10>, scalar_prefetch = 0 : i64, scratch_operands = 1 : i64, tpu.core_type = #tpu.core_type<tc>, window_params = [{transform_indices = @transform_0, window_bounds = array<i64: 2, 1024, 128>}, {transform_indices = @transform_1, window_bounds = array<i64: 1024, 1>}, {pipeline_mode = #tpu.pipeline_mode<synchronous>, transform_indices = @transform_2, window_bounds = array<i64: 1, 128>}, {pipeline_mode = #tpu.pipeline_mode<synchronous>, transform_indices = @transform_3, window_bounds = array<i64: 128, 128>}, {pipeline_mode = #tpu.pipeline_mode<synchronous>, transform_indices = @transform_4, window_bounds = array<i64: 1, 128>}, {pipeline_mode = #tpu.pipeline_mode<synchronous>, transform_indices = @transform_5, window_bounds = array<i64: 128, 128>}, {pipeline_mode = #tpu.pipeline_mode<synchronous>, transform_indices = @transform_6, window_bounds = array<i64: 1, 128>}, {pipeline_mode = #tpu.pipeline_mode<synchronous>, transform_indices = @transform_7, window_bounds = array<i64: 128, 128>}, {pipeline_mode = #tpu.pipeline_mode<synchronous>, transform_indices = @transform_8, window_bounds = array<i64: 1, 128>}, {pipeline_mode = #tpu.pipeline_mode<synchronous>, transform_indices = @transform_9, window_bounds = array<i64: 1, 128>}]} {
    %eq3A = arith.constant 0 : i32
    %eq3A_0 = arith.cmpi eq, %arg0, %eq3A : i32
    %convert_element_type3A = arith.extui %eq3A_0 : i1 to i32
    %cond3A = arith.constant 0 : i32
    %cond3A_1 = arith.cmpi ne, %convert_element_type3A, %cond3A : i32
    scf.if %cond3A_1 {
      %broadcast_in_dim3A_43 = arith.constant 0.000000e+00 : f32
      %broadcast_in_dim3A_44 = vector.broadcast %broadcast_in_dim3A_43 : f32 to vector<1x128xf32>
      %swap3A_45 = arith.constant 0 : index
      %swap3A_46 = arith.constant 0 : index
      %swap3A_47 = vector.load %arg11[%swap3A_45, %swap3A_46] : memref<1x128xf32, #tpu.memory_space<vmem>>, vector<1x128xf32>
      tpu.vector_store %arg11[%swap3A_45, %swap3A_46], %broadcast_in_dim3A_44 {strides = array<i32>} : memref<1x128xf32, #tpu.memory_space<vmem>>, vector<1x128xf32>,
    } else {
    }
    %get3A = arith.constant 0 : index
    %get3A_2 = arith.constant 0 : index
    %get3A_3 = arith.constant 0 : index
    %get3A_4 = vector.load %arg1[%get3A, %get3A_2, %get3A_3] : memref<2x1024x128xf32, #tpu.memory_space<vmem>>, vector<1x1024x128xf32>
    %get3A_5 = vector.shape_cast %get3A_4 : vector<1x1024x128xf32> to vector<1024x128xf32>
    %get3A_6 = arith.constant 1 : index
    %get3A_7 = arith.constant 0 : index
    %get3A_8 = arith.constant 0 : index
    %get3A_9 = vector.load %arg1[%get3A_6, %get3A_7, %get3A_8] : memref<2x1024x128xf32, #tpu.memory_space<vmem>>, vector<1x1024x128xf32>
    %get3A_10 = vector.shape_cast %get3A_9 : vector<1x1024x128xf32> to vector<1024x128xf32>
    %add3A = arith.addf %get3A_5, %get3A_10 : vector<1024x128xf32>
    %get3A_11 = arith.constant 0 : index
    %get3A_12 = arith.constant 0 : index
    %get3A_13 = vector.load %arg2[%get3A_11, %get3A_12] : memref<1024x1xf32, #tpu.memory_space<vmem>>, vector<1024x1xf32>
    %mul3A = vector.broadcast %get3A_13 : vector<1024x1xf32> to vector<1024x128xf32>
    %mul3A_14 = arith.mulf %add3A, %mul3A : vector<1024x128xf32>
    %get3A_15 = arith.constant 0 : index
    %get3A_16 = arith.constant 0 : index
    %get3A_17 = vector.load %arg3[%get3A_15, %get3A_16] : memref<1x128xf32, #tpu.memory_space<vmem>>, vector<1x128xf32>
    %add3A_18 = vector.broadcast %get3A_17 : vector<1x128xf32> to vector<1024x128xf32>
    %add3A_19 = arith.addf %mul3A_14, %add3A_18 : vector<1024x128xf32>
    %max3A = arith.constant 0.000000e+00 : f32
    %max3A_20 = vector.broadcast %max3A : f32 to vector<1024x128xf32>
    %max3A_21 = arith.maximumf %add3A_19, %max3A_20 : vector<1024x128xf32>
    %iota3A = tpu.iota {dimensions = array<i32: 0>} : vector<1024x1xi32>
    %mul3A_22 = arith.constant 1024 : i32
    %mul3A_23 = arith.muli %arg0, %mul3A_22 : i32
    %add3A_24 = vector.broadcast %mul3A_23 : i32 to vector<1024x1xi32>
    %add3A_25 = arith.addi %iota3A, %add3A_24 : vector<1024x1xi32>
    %lt3A = arith.constant 10000 : i32
    %lt3A_26 = vector.broadcast %lt3A : i32 to vector<1024x1xi32>
    %lt3A_27 = arith.cmpi slt, %add3A_25, %lt3A_26 : vector<1024x1xi32>
    %jit3A = arith.constant 0.000000e+00 : f32
    %broadcast_in_dim3A = vector.shape_cast %lt3A_27 : vector<1024x1xi1> to vector<1024x1xi1>
    %broadcast_in_dim3A_28 = vector.broadcast %broadcast_in_dim3A : vector<1024x1xi1> to vector<1024x128xi1>
    %broadcast_in_dim3A_29 = vector.broadcast %jit3A : f32 to vector<1024x128xf32>
    %select_n3A = arith.select %broadcast_in_dim3A_28, %max3A_21, %broadcast_in_dim3A_29 : vector<1024x128xi1>, vector<1024x128xf32>
    %get3A_30 = arith.constant 0 : index
    %get3A_31 = arith.constant 0 : index
    %get3A_32 = vector.load %arg11[%get3A_30, %get3A_31] : memref<1x128xf32, #tpu.memory_space<vmem>>, vector<1x128xf32>
    %reduce_max3A = arith.constant dense<0xFF800000> : vector<128xf32>
    %reduce_max3A_33 = vector.multi_reduction <maximumf>, %select_n3A, %reduce_max3A [0] : vector<1024x128xf32> to vector<128xf32>
    %broadcast_in_dim3A_34 = vector.shape_cast %reduce_max3A_33 : vector<128xf32> to vector<1x128xf32>
    %max3A_35 = arith.maximumf %get3A_32, %broadcast_in_dim3A_34 : vector<1x128xf32>
    %swap3A = arith.constant 0 : index
    %swap3A_36 = arith.constant 0 : index
    %swap3A_37 = vector.load %arg11[%swap3A, %swap3A_36] : memref<1x128xf32, #tpu.memory_space<vmem>>, vector<1x128xf32>
    tpu.vector_store %arg11[%swap3A, %swap3A_36], %max3A_35 {strides = array<i32>} : memref<1x128xf32, #tpu.memory_space<vmem>>, vector<1x128xf32>,
    %eq3A_38 = arith.constant 9 : i32
    %eq3A_39 = arith.cmpi eq, %arg0, %eq3A_38 : i32
    %convert_element_type3A_40 = arith.extui %eq3A_39 : i1 to i32
    %cond3A_41 = arith.constant 0 : i32
    %cond3A_42 = arith.cmpi ne, %convert_element_type3A_40, %cond3A_41 : i32
    scf.if %cond3A_42 {
      %get3A_43 = arith.constant 0 : index
      %get3A_44 = arith.constant 0 : index
      %get3A_45 = vector.load %arg11[%get3A_43, %get3A_44] : memref<1x128xf32, #tpu.memory_space<vmem>>, vector<1x128xf32>
      %get3A_46 = arith.constant 0 : index
      %get3A_47 = arith.constant 0 : index
      %get3A_48 = vector.load %arg4[%get3A_46, %get3A_47] : memref<128x128xf32, #tpu.memory_space<vmem>>, vector<128x128xf32>
      %dot_general3A = arith.constant dense<0.000000e+00> : vector<1x128xf32>
      %dot_general3A_49 = tpu.matmul %get3A_45, %get3A_48, %dot_general3A {dimension_numbers = #tpu.dot_dimension_numbers<[1], [0], [0], [1], [0, 0, 1, 1], [], []>, precision = #tpu.contract_precision<fp32>, transpose_lhs_hint = false} : vector<1x128xf32>, vector<128x128xf32>, vector<1x128xf32> -> vector<1x128xf32>
      %get3A_50 = arith.constant 0 : index
      %get3A_51 = arith.constant 0 : index
      %get3A_52 = vector.load %arg5[%get3A_50, %get3A_51] : memref<1x128xf32, #tpu.memory_space<vmem>>, vector<1x128xf32>
      %add3A_53 = arith.addf %dot_general3A_49, %get3A_52 : vector<1x128xf32>
      %max3A_54 = arith.constant 0.000000e+00 : f32
      %max3A_55 = vector.broadcast %max3A_54 : f32 to vector<1x128xf32>
      %max3A_56 = arith.maximumf %add3A_53, %max3A_55 : vector<1x128xf32>
      %get3A_57 = arith.constant 0 : index
      %get3A_58 = arith.constant 0 : index
      %get3A_59 = vector.load %arg6[%get3A_57, %get3A_58] : memref<128x128xf32, #tpu.memory_space<vmem>>, vector<128x128xf32>
      %dot_general3A_60 = arith.constant dense<0.000000e+00> : vector<1x128xf32>
      %dot_general3A_61 = tpu.matmul %max3A_56, %get3A_59, %dot_general3A_60 {dimension_numbers = #tpu.dot_dimension_numbers<[1], [0], [0], [1], [0, 0, 1, 1], [], []>, precision = #tpu.contract_precision<fp32>, transpose_lhs_hint = false} : vector<1x128xf32>, vector<128x128xf32>, vector<1x128xf32> -> vector<1x128xf32>
      %get3A_62 = arith.constant 0 : index
      %get3A_63 = arith.constant 0 : index
      %get3A_64 = vector.load %arg7[%get3A_62, %get3A_63] : memref<1x128xf32, #tpu.memory_space<vmem>>, vector<1x128xf32>
      %add3A_65 = arith.addf %dot_general3A_61, %get3A_64 : vector<1x128xf32>
      %max3A_66 = arith.constant 0.000000e+00 : f32
      %max3A_67 = vector.broadcast %max3A_66 : f32 to vector<1x128xf32>
      %max3A_68 = arith.maximumf %add3A_65, %max3A_67 : vector<1x128xf32>
      %get3A_69 = arith.constant 0 : index
      %get3A_70 = arith.constant 0 : index
      %get3A_71 = vector.load %arg8[%get3A_69, %get3A_70] : memref<128x128xf32, #tpu.memory_space<vmem>>, vector<128x128xf32>
      %dot_general3A_72 = arith.constant dense<0.000000e+00> : vector<1x128xf32>
      %dot_general3A_73 = tpu.matmul %max3A_68, %get3A_71, %dot_general3A_72 {dimension_numbers = #tpu.dot_dimension_numbers<[1], [0], [0], [1], [0, 0, 1, 1], [], []>, precision = #tpu.contract_precision<fp32>, transpose_lhs_hint = false} : vector<1x128xf32>, vector<128x128xf32>, vector<1x128xf32> -> vector<1x128xf32>
      %get3A_74 = arith.constant 0 : index
      %get3A_75 = arith.constant 0 : index
      %get3A_76 = vector.load %arg9[%get3A_74, %get3A_75] : memref<1x128xf32, #tpu.memory_space<vmem>>, vector<1x128xf32>
      %add3A_77 = arith.addf %dot_general3A_73, %get3A_76 : vector<1x128xf32>
      %swap3A_78 = arith.constant 0 : index
      %swap3A_79 = arith.constant 0 : index
      %swap3A_80 = vector.load %arg10[%swap3A_78, %swap3A_79] : memref<1x128xf32, #tpu.memory_space<vmem>>, vector<1x128xf32>
      tpu.vector_store %arg10[%swap3A_78, %swap3A_79], %add3A_77 {strides = array<i32>} : memref<1x128xf32, #tpu.memory_space<vmem>>, vector<1x128xf32>,
    } else {
    }
    return
  }
  func.func @transform_0(%arg0: i32) -> (i32, i32, i32) {
    %c0_i32 = arith.constant 0 : i32
    %c0_i32_0 = arith.constant 0 : i32
    %c0_i32_1 = arith.constant 0 : i32
    return %c0_i32, %arg0, %c0_i32_0 : i32, i32, i32
  }
  func.func @transform_1(%arg0: i32) -> (i32, i32) {
    %c0_i32 = arith.constant 0 : i32
    %c0_i32_0 = arith.constant 0 : i32
    return %arg0, %c0_i32 : i32, i32
  }
  func.func @transform_2(%arg0: i32) -> (i32, i32) {
    %c0_i32 = arith.constant 0 : i32
    %c0_i32_0 = arith.constant 0 : i32
    %c0_i32_1 = arith.constant 0 : i32
    return %c0_i32, %c0_i32_0 : i32, i32
  }
  func.func @transform_3(%arg0: i32) -> (i32, i32) {
    %c0_i32 = arith.constant 0 : i32
    %c0_i32_0 = arith.constant 0 : i32
    %c0_i32_1 = arith.constant 0 : i32
    return %c0_i32, %c0_i32_0 : i32, i32
  }
  func.func @transform_4(%arg0: i32) -> (i32, i32) {
    %c0_i32 = arith.constant 0 : i32
    %c0_i32_0 = arith.constant 0 : i32
    %c0_i32_1 = arith.constant 0 : i32
    return %c0_i32, %c0_i32_0 : i32, i32
  }
  func.func @transform_5(%arg0: i32) -> (i32, i32) {
    %c0_i32 = arith.constant 0 : i32
    %c0_i32_0 = arith.constant 0 : i32
    %c0_i32_1 = arith.constant 0 : i32
    return %c0_i32, %c0_i32_0 : i32, i32
  }
  func.func @transform_6(%arg0: i32) -> (i32, i32) {
    %c0_i32 = arith.constant 0 : i32
    %c0_i32_0 = arith.constant 0 : i32
    %c0_i32_1 = arith.constant 0 : i32
    return %c0_i32, %c0_i32_0 : i32, i32
  }
  func.func @transform_7(%arg0: i32) -> (i32, i32) {
    %c0_i32 = arith.constant 0 : i32
    %c0_i32_0 = arith.constant 0 : i32
    %c0_i32_1 = arith.constant 0 : i32
    return %c0_i32, %c0_i32_0 : i32, i32
  }
  func.func @transform_8(%arg0: i32) -> (i32, i32) {
    %c0_i32 = arith.constant 0 : i32
    %c0_i32_0 = arith.constant 0 : i32
    %c0_i32_1 = arith.constant 0 : i32
    return %c0_i32, %c0_i32_0 : i32, i32
  }
  func.func @transform_9(%arg0: i32) -> (i32, i32) {
    %c0_i32 = arith.constant 0 : i32
    %c0_i32_0 = arith.constant 0 : i32
    %c0_i32_1 = arith.constant 0 : i32
    return %c0_i32, %c0_i32_0 : i32, i32
  }
}

</mosaic_0001>

<sc_bundles>
// kernel: kernel.10.cloned.1.call-start
scs
__scs_entry_jumppad:
0x0: {  	(pc) =	sbr.rel $0x88, $3  }
0x1: {  	(tag) =	ssettag $0x0;
	lr =	simm.s32 $0x1  }
0x2: {  	[smem:$0x3F93] =	sst lr;
	_ =	strace $0xD0000000  }
0x3: {  	_ = 	snop  }
0x4: {  	_ = 	snop  }
0x5: {  	_ = 	snop  }
0x6: {  	_ = 	snop  }
0x7: {  	_ = 	snop  }
__scs_overlays_trampoline_lowered:
0x8: {  	[smem:$0x3FA2] =	sst s0  }
0x9: {  	[smem:$0x3FA3] =	sst s1  }
0xa: {  	[smem:$0x3FA4] =	sst s2  }
0xb: {  	[smem:$0x3FA5] =	sst s3  }
0xc: {  	[smem:$0x3FA6] =	sst s4  }
0xd: {  	[smem:$0x3FA7] =	sst s5  }
0xe: {  	[smem:$0x3FA8] =	sst s6  }
0xf: {  	[smem:$0x3FA9] =	sst s7  }
0x10: {  	[smem:$0x3FAA] =	sst s8  }
0x11: {  	[smem:$0x3FAB] =	sst s9;
	s0 =	simm.s32 @!p0 $0x0  }
0x12: {  	s1 =	sld [smem:$0x3F91];
	s0 =	simm.s32 @p0 $0x1  }
0x13: {  	[smem:$0x3FAC] =	sst s0;
	s0 =	simm.s32 @!p1 $0x0  }
0x14: {  	s2 =	sld [smem:$0x3F90];
	s0 =	simm.s32 @p1 $0x1  }
0x15: {  	[smem:$0x3FAD] =	sst s0;
	s0 =	simm.s32 @!p2 $0x0  }
0x16: {  	s3 =	sld [smem:$0x3FDB];
	s0 =	simm.s32 @p2 $0x1  }
0x17: {  	s4 =	simm.s32 $0x1BF5;
	[smem:$0x3FAF] =	sst s0  }
0x18: {  	s0 =	sld [smem:$0x3F92];
	_ =	swait.ge [sflag:s4], $0x0  }
0x19: {  	s7 =	sld [smem:$0x3F93]  }
0x1a: {  	s8 =	sadd.s32 $0xFFFFE003, lr  }
0x1b: {  	s9 =	sadd.s32 $0xFFFFFEF7, lr;
	s5 =	simm.s32 $0xFFFFFFFF;
	p2 =	slt.u32 s8, $0xFFFFF086  }
0x1c: {  	p1 =	slt.u32 s9, $0xF7A;
	s5 =	simm.s32 @!p2 $0x0  }
0x1d: {  	s5 =	simm.s32 @p1 $0x1;
	p0 =	seq.s32 s7, s2  }
0x1e: {  	s7 =	smul.u32 @!p0 $0xF7A, s2;
	p2 =	seq.s32 @!p0 s5, $0x0  }
0x1f: {  	s9 =	smul.u32 $0xF7A, s1;
	s8 =	simm.s32 @!p0 $0x1BF5;
	p2 =	por !p2, p0  }
0x20: {  	[sflag:s8] =	ssyncset.s32 @!p0 $0xFFFFF086;
	s6 =	sadd.s32 @!p0 s3, s7;
	s7 =	simm.s32 @!p0 $0x108  }
0x21: {  	s3 =	sadd.s32 s3, s9;
	s6 =	sadd.s32 @!p0 $0x88, s6;
	s7 =	simm.s32 @p2 $0x1082  }
0x22: {  	[simem:s7], [sflag:s8] =	dma.local @!p0 [hbm:s6], $0xF7A  }
0x23: {  	s9 =	sor.u32 $0xD0000000, s2;
	s6 =	simm.s32 $0x108;
	_ =	swait.ge @!p0 [sflag:s8], $0x0  }
0x24: {  	s3 =	sadd.s32 $0x88, s3;
	s6 =	simm.s32 @!p1 $0x1082;
	[sflag:s4] =	ssyncset.s32 $0xFFFFF086  }
0x25: {  	[simem:s6], [sflag:s4] =	dma.local [hbm:s3], $0xF7A  }
0x26: {  	[smem:$0x3F93] =	sst s1;
	(tag) =	ssettag s2;
	_ =	strace s9  }
0x27: {  	s1 =	sld [smem:$0x3FA3]  }
0x28: {  	s2 =	sld [smem:$0x3FA4]  }
0x29: {  	s4 =	sld [smem:$0x3FA6]  }
0x2a: {  	p0 =	seq.s32 s5, $0x0;
	s5 =	sld [smem:$0x3FA7]  }
0x2b: {  	s6 =	sld [smem:$0x3FA8]  }
0x2c: {  	s7 =	sld [smem:$0x3FA9]  }
0x2d: {  	s3 =	simm.s32 $0x108;
	s8 =	sld [smem:$0x3FAA]  }
0x2e: {  	s3 =	simm.s32 @!p0 $0x1082;
	s9 =	sld [smem:$0x3FAB]  }
0x2f: {  	lr =	sadd.s32 s0, s3;
	s0 =	sld [smem:$0x3FA2]  }
0x30: {  	s3 =	sld [smem:$0x3FA5]  }
0x31: {  	[smem:$0x3FAE] =	sst s10  }
0x32: {  	s10 =	sld [smem:$0x3FAC];
	_ =	sdelay $0x3  }
0x33: {  	p0 =	seq.s32 s10, $0x1;
	s10 =	sld [smem:$0x3FAE];
	_ =	sdelay $0x3  }
0x34: {  	[smem:$0x3FAE] =	sst s10  }
0x35: {  	s10 =	sld [smem:$0x3FAD];
	_ =	sdelay $0x3  }
0x36: {  	p1 =	seq.s32 s10, $0x1;
	s10 =	sld [smem:$0x3FAE];
	_ =	sdelay $0x3  }
0x37: {  	[smem:$0x3FAE] =	sst s10  }
0x38: {  	s10 =	sld [smem:$0x3FAF]  }
0x39: {  	_ = 	snop;
	(pc) =	sbr.ind lr, $3  }
0x3a: {  	_ = 	snop  }
0x3b: {  	_ = 	snop  }
0x3c: {  	p2 =	seq.s32 s10, $0x1;
	s10 =	sld [smem:$0x3FAE]  }
0x3d: {  	_ =	shalt  }
0x3e: {  	_ =	shalt  }
0x3f: {  	_ =	shalt  }
0x40: {  	_ =	shalt  }
0x41: {  	_ =	shalt  }
0x42: {  	_ =	shalt  }
0x43: {  	_ =	shalt  }
0x44: {  	_ =	shalt  }
0x45: {  	_ =	shalt  }
0x46: {  	_ =	shalt  }
0x47: {  	_ =	shalt  }
0x48: {  	_ =	shalt  }
0x49: {  	_ =	shalt  }
0x4a: {  	_ =	shalt  }
0x4b: {  	_ =	shalt  }
0x4c: {  	_ =	shalt  }
0x4d: {  	_ =	shalt  }
0x4e: {  	_ =	shalt  }
0x4f: {  	_ =	shalt  }
0x50: {  	_ =	shalt  }
0x51: {  	_ =	shalt  }
0x52: {  	_ =	shalt  }
0x53: {  	_ =	shalt  }
0x54: {  	_ =	shalt  }
0x55: {  	_ =	shalt  }
0x56: {  	_ =	shalt  }
0x57: {  	_ =	shalt  }
0x58: {  	_ =	shalt  }
0x59: {  	_ =	shalt  }
0x5a: {  	_ =	shalt  }
0x5b: {  	_ =	shalt  }
0x5c: {  	_ =	shalt  }
0x5d: {  	_ =	shalt  }
0x5e: {  	_ =	shalt  }
0x5f: {  	_ =	shalt  }
0x60: {  	_ =	shalt  }
0x61: {  	_ =	shalt  }
0x62: {  	_ =	shalt  }
0x63: {  	_ =	shalt  }
0x64: {  	_ =	shalt  }
0x65: {  	_ =	shalt  }
0x66: {  	_ =	shalt  }
0x67: {  	_ =	shalt  }
0x68: {  	_ =	shalt  }
0x69: {  	_ =	shalt  }
0x6a: {  	_ =	shalt  }
0x6b: {  	_ =	shalt  }
0x6c: {  	_ =	shalt  }
0x6d: {  	_ =	shalt  }
0x6e: {  	_ =	shalt  }
0x6f: {  	_ =	shalt  }
0x70: {  	_ =	shalt  }
0x71: {  	_ =	shalt  }
0x72: {  	_ =	shalt  }
0x73: {  	_ =	shalt  }
0x74: {  	_ =	shalt  }
0x75: {  	_ =	shalt  }
0x76: {  	_ =	shalt  }
0x77: {  	_ =	shalt  }
0x78: {  	_ =	shalt  }
0x79: {  	_ =	shalt  }
0x7a: {  	_ =	shalt  }
0x7b: {  	_ =	shalt  }
0x7c: {  	_ =	shalt  }
0x7d: {  	_ =	shalt  }
0x7e: {  	_ =	shalt  }
0x7f: {  	_ =	shalt  }
0x80: {  	_ =	shalt  }
0x81: {  	_ =	shalt  }
0x82: {  	_ =	shalt  }
0x83: {  	_ =	shalt  }
0x84: {  	_ =	shalt  }
0x85: {  	_ =	shalt  }
0x86: {  	_ =	shalt  }
0x87: {  	_ =	shalt  }
.Lfunc_end0:
.L_simem_size_0:
called_computation_lowered:
.L_overlay_start_0:
0x88: {  	s2 =	sld [smem:$0x3FD9]  }
0x89: {  	s3 =	sld [smem:$0x3FFE];
	_ =	sdelay $0x1  }
0x8a: {  	s1 =	srdreg.scid  }
0x8b: {  	s0 =	sand.u32 $0x1, s1  }
0x8c: {  	s16 =	sshll.u32 s0, $0xA;
	s2 =	sadd.s32 s3, s2  }
0x8d: {  	s2 =	sadd.s32 s2, s16  }
0x8e: {  	[smem:$0x3FBA] =	sst s2  }
0x8f: {  	_ = 	snop  }
0x90: {  	(tm) =	ssettm $0x1  }
0x91: {  	s17 =	sld [smem:$0x3FFB];
	_ =	sdelay $0x3  }
0x92: {  	_ =	strace s17  }
0x93: {  	s2 =	sld [smem:$0x3FFC];
	_ =	sdelay $0x3  }
0x94: {  	_ =	strace s2  }
0x95: {  	s2 =	sld [smem:$0x3FFD];
	_ =	sdelay $0x3  }
0x96: {  	_ =	strace s2  }
0x97: {  	_ =	strace $0x8FFFFFFF  }
0x98: {  	s18 =	sld [smem:$0x3FDB];
	_ =	sdelay $0x1  }
0x99: {  	s19 =	simm.s32 $_scs_section_size  }
0x9a: {  	s4 =	simm.s32 $_size__tile_overlayer_lowered;
	s5 =	simm.s32 $_tile_overlayer_lowered  }
0x9b: {  	s22 =	simm.s32 $0x1BFF;
	s21 =	sshll.u32 s5, $0x1;
	s2 =	sadd.s32 s19, s18  }
0x9c: {  	s6 =	simm.s32 $0x0;
	s20 =	sshll.u32 s4, $0x1;
	s4 =	sadd.s32 s21, s2  }
0x9d: {  	[timem:s6], [sflag:s22] =	dma.local [hbm:s4], s20  }
0x9e: {  	_ =	swait.ge [sflag:s22], s20  }
0x9f: {  	s3 =	ssub.s32 $0x0, s20;
	[sflag:s22] =	ssyncset.done $0x0  }
0xa0: {  	[sflag:s22] =	ssyncadd.s32 s3;
	_ =	sdelay $0x1  }
0xa1: {  	s23 =	simm.s32 $0x1B8B  }
0xa2: {  	_ =	swait.ge [sflag:s23], $0x1  }
0xa3: {  	[sflag:s23] =	ssyncset.done $0x0  }
0xa4: {  	s25 =	simm.s32 $0x1B8E;
	s24 =	sld [smem:$0x3FFE];
	[sflag:s23] =	ssyncadd.s32 $0xFFFFFFFF  }
0xa5: {  	s26 =	simm.s32 $execute0_lowered;
	[smem:$0x3FD2] =	sst s25  }
0xa6: {  	s4 =	sshll.u32 s26, $0x1;
	_ =	strace $0x80000046;
	[dreg:$0x1] =	wrdreg $0xFFFFFFFF  }
0xa7: {  	s28 =	simm.s32 $_size_execute0_lowered;
	s2 =	sadd.s32 s2, s4;
	[dreg:$0x0] =	wrdreg $0x0  }
0xa8: {  	s4 =	sshll.u32 s28, $0x1;
	[dreg:$0x2] =	wrdreg s2  }
0xa9: {  	[dreg:$0x3] =	wrdreg s4  }
0xaa: {  	[dreg:$0x4] =	wrdreg $0xC0  }
0xab: {  	_ =	task [dreg:s6], $0x5FFFF  }
0xac: {  	[dreg:$0x1] =	wrdreg $0xFFFFFFFF  }
0xad: {  	[dreg:$0x0] =	wrdreg $0x60  }
0xae: {  	[dreg:$0x2] =	wrdreg s24  }
0xaf: {  	[dreg:$0x3] =	wrdreg $0x53000  }
0xb0: {  	[dreg:$0x4] =	wrdreg $0x55800  }
0xb1: {  	[dreg:$0x5] =	wrdreg $0x9  }
0xb2: {  	_ =	task.clear_ibuf [dreg:s6], $0x6FFFF;
	_ =	strace $0x90000046  }
0xb3: {  	s29 =	simm.s32 $0x9;
	_ =	strace $0x80000048  }
0xb4: {  	_ =	swait.ge [sflag:s29], $0x1  }
0xb5: {  	[sflag:s29] =	ssyncadd.s32 $0xFFFFFFFF  }
0xb6: {  	_ =	strace $0x90000048  }
0xb7: {  	_ =	sfence  }
0xb8: {  	s30 =	sld [smem:$0x0];
	_ =	sdelay $0x2  }
0xb9: {  	s31 =	sshll.u32 s1, $0xD;
	s1 =	sshrl.u32 s1, $0x2  }
0xba: {  	s3 =	sand.u32 $0x4000, s31;
	s1 =	sadd.s32 s1, s30  }
0xbb: {  	s0 =	sor.u32 s3, s0;
	s1 =	sshll.u32 s1, $0x11  }
0xbc: {  	s0 =	sor.u32 s1, s0  }
0xbd: {  	s0 =	sadd.s32 $0x8F2B, s0  }
0xbe: {  	[sflag:s0] =	ssyncadd.remote.s32 $0x1  }
0xbf: {  	_ =	sfence.sel $0xFFFF  }
0xc0: {  	[dreg:$0x0] =	wrdreg $0xFFFFFFFF;
	(pc) =	sbr.abs _section_cstart, $3  }
0xc1: {  	[dreg:$0x1] =	wrdreg $0xFFFFFFFF  }
0xc2: {  	_ =	task.clear_ibuf [dreg:s6], $0x2FFFF;
	_ =	strace $0x9FFFFFFF  }
0xc3: {  	(tm) =	ssettm $0x7FFFFFFF  }
tec
execute0_lowered:
.L_overlay_start_1:
0x0: {  	(tag) =	ssettag $0x1  }
0x1: {  	s5 =	rddreg [dreg:$0x0]  }
0x2: {  	s1 =	rddreg [dreg:$0x1]  }
0x3: {  	s2 =	rddreg [dreg:$0x2]  }
0x4: {  	s3 =	srdreg.scid;
	s0 =	rddreg [dreg:$0x3];
	s4 =	simm.s32 $0x0  }
0x5: {  	s13 =	simm.s32 $0x1;
	s14 =	simm.s32 $0x2800;
	s15 =	simm.s32 $0x80  }
0x6: {  	s16 =	simm.s32 $0x5000;
	s19 =	simm.s32 $0x20;
	s20 =	simm.s32 $0x10  }
0x7: {  	s22 =	simm.s32 $0x0;
	s6 =	sand.u32 $0x1, s3;
	s3 =	stileid.u32  }
0x8: {  	[smem:$0x7FF] =	sst s4;
	s7 =	sshll.u32 s6, $0x4;
	s8 =	smul.u32 $0x5000, s6  }
0x9: {  	s9 =	smul.u32 $0x500, s3;
	_ =	strace $0x80000047;
	s6 =	ssub.s32 $0x2, s6  }
0xa: {  	s29 =	smul.u32 $0x280, s3;
	s17 =	sshll.u32 s3, $0x6;
	s7 =	sor.u32 s3, s7  }
0xb: {  	s31 =	sshrl.u32 s6, $0x1;
	s17 =	sor.u32 $0x1C01, s17;
	s7 =	smul.u32 $0x500, s7  }
0xc: {  	s8 =	sadd.s32 s9, s8;
	s12 =	ssub.s32 s6, s31;
	s6 =	sadd.s32 s29, s2  }
0xd: {  	s30 =	sshrl.u32 s8, $0x3;
	s21 =	sshrl.u32 s6, $0x3;
	s10 =	sadd.s32 s7, s5  }
0xe: {  	s11 =	sadd.s32 s30, s5;
	s5 =	sadd.s32 s29, s1;
	s7 =	sadd.s32 $0xD400, s10  }
0xf: {  	s8 =	sadd.s32 $0x3400, s10;
	s9 =	sadd.s32 $0x17400, s11;
	s10 =	sadd.s32 $0x17410, s11  }
0x10: {  	v0 =	vimm.f32 $1.000000000e+00;
	v1 =	vimm.f32 $0.0e+00;
	s11 =	smax.u32 s12, $0x1;
	s12 =	simm.s32 $0x5080;
	s18 =	sshrl.u32 s5, $0x3  }
.LBB2_1:
0x11: {  	[tilespmem:$0x5000] =	vst v0  }
0x12: {  	[tilespmem:$0x5010] =	vst v0  }
0x13: {  	[tilespmem:$0x5020] =	vst v0  }
0x14: {  	[tilespmem:$0x5030] =	vst v0  }
0x15: {  	[tilespmem:$0x5040] =	vst v0  }
0x16: {  	[tilespmem:$0x5050] =	vst v0  }
0x17: {  	[tilespmem:$0x5060] =	vst v0  }
0x18: {  	[tilespmem:$0x5070] =	vst v0  }
0x19: {  	[tilespmem:$0x5080] =	vst v1  }
0x1a: {  	[tilespmem:$0x5090] =	vst v1  }
0x1b: {  	[tilespmem:$0x50A0] =	vst v1  }
0x1c: {  	[tilespmem:$0x50B0] =	vst v1  }
0x1d: {  	[tilespmem:$0x50C0] =	vst v1  }
0x1e: {  	[tilespmem:$0x50D0] =	vst v1  }
0x1f: {  	[tilespmem:$0x50E0] =	vst v1  }
0x20: {  	[tilespmem:$0x50F0] =	vst v1  }
0x21: {  	[tilespmem:$0x5100] =	vst v1  }
0x22: {  	[tilespmem:$0x5110] =	vst v1  }
0x23: {  	[tilespmem:$0x5120] =	vst v1  }
0x24: {  	[tilespmem:$0x5130] =	vst v1  }
0x25: {  	[tilespmem:$0x5140] =	vst v1  }
0x26: {  	[tilespmem:$0x5150] =	vst v1  }
0x27: {  	[tilespmem:$0x5160] =	vst v1  }
0x28: {  	[tilespmem:$0x5170] =	vst v1  }
0x29: {  	[tilespmem:$0x5180] =	vst v1  }
0x2a: {  	[tilespmem:$0x5190] =	vst v1  }
0x2b: {  	[tilespmem:$0x51A0] =	vst v1  }
0x2c: {  	[tilespmem:$0x51B0] =	vst v1  }
0x2d: {  	[tilespmem:$0x51C0] =	vst v1  }
0x2e: {  	[tilespmem:$0x51D0] =	vst v1  }
0x2f: {  	[tilespmem:$0x51E0] =	vst v1  }
0x30: {  	[tilespmem:$0x51F0] =	vst v1  }
0x31: {  	[tilespmem:$0x5200] =	vst v1  }
0x32: {  	[tilespmem:$0x5210] =	vst v1  }
0x33: {  	[tilespmem:$0x5220] =	vst v1  }
0x34: {  	[tilespmem:$0x5230] =	vst v1  }
0x35: {  	[tilespmem:$0x5240] =	vst v1  }
0x36: {  	[tilespmem:$0x5250] =	vst v1  }
0x37: {  	[tilespmem:$0x5260] =	vst v1  }
0x38: {  	[tilespmem:$0x5270] =	vst v1  }
0x39: {  	[tilespmem:$0x5280] =	vst v1  }
0x3a: {  	[tilespmem:$0x5290] =	vst v1  }
0x3b: {  	[tilespmem:$0x52A0] =	vst v1  }
0x3c: {  	[tilespmem:$0x52B0] =	vst v1  }
0x3d: {  	[tilespmem:$0x52C0] =	vst v1  }
0x3e: {  	[tilespmem:$0x52D0] =	vst v1  }
0x3f: {  	[tilespmem:$0x52E0] =	vst v1  }
0x40: {  	[tilespmem:$0x52F0] =	vst v1  }
0x41: {  	[spmem:s5] =	stream.linear.scatter [tilespmem:s12], [sflag:$0x1], $0x280, $0x38;
	[tilespmem:$0x5800] =	vst v63  }
0x42: {  	_ =	swait.ge [sflag:s13], $0x280  }
0x43: {  	[sflag:s13] =	ssyncset.done $0x0  }
0x44: {  	[sflag:s13] =	ssyncadd.s32 $0xFFFFFD80  }
0x45: {  	[spmem:s6] =	stream.linear.scatter [tilespmem:s12], [sflag:$0x1], $0x280, $0x38;
	[tilespmem:$0x5800] =	vst v63  }
0x46: {  	_ =	swait.ge [sflag:s13], $0x280  }
0x47: {  	[sflag:s13] =	ssyncset.done $0x0  }
0x48: {  	[sflag:s13] =	ssyncadd.s32 $0xFFFFFD80  }
0x49: {  	[bflag:$0x0] =	sbarrier.arrive $0xFFFF  }
0x4a: {  	[tilespmem:s4], [sflag:$0x1] =	stream.linear.gather [hbm4b:s7+s4], $0x2780, $0x38;
	[tilespmem:$0x5800] =	vst v63  }
0x4b: {  	_ =	swait.ge [sflag:s13], $0x2780  }
0x4c: {  	[sflag:s13] =	ssyncset.done $0x0  }
0x4d: {  	[sflag:s13] =	ssyncadd.s32 $0xFFFFD880  }
0x4e: {  	[tilespmem:s14], [sflag:$0x1] =	stream.linear.gather [hbm4b:s8+s4], $0x2780, $0x38;
	[tilespmem:$0x5800] =	vst v63  }
0x4f: {  	_ =	swait.ge [sflag:s13], $0x2780  }
0x50: {  	[sflag:s13] =	ssyncset.done $0x0  }
0x51: {  	s23 =	simm.s32 $0x0;
	[sflag:s13] =	ssyncadd.s32 $0xFFFFD880  }
0x52: {  	[spmem:s1] =	stream.indirect.scatter.add.f32 [tilespmem:s16], [sflag:$0x1], $0x1, s23, s15, $0xb8;
	[tilespmem:$0x5800] =	vst v63  }
0x53: {  	_ =	swait.ge [sflag:s13], $0x80  }
0x54: {  	[sflag:s13] =	ssyncset.done $0x0  }
0x55: {  	s31 =	simm.s32 $0x2800;
	[sflag:s13] =	ssyncadd.s32 $0xFFFFFF80  }
0x56: {  	[spmem:s2] =	stream.indirect.scatter.add.f32 [tilespmem:s16], [sflag:$0x1], $0x1, s31, s15, $0xb8;
	[tilespmem:$0x5800] =	vst v63  }
0x57: {  	_ =	swait.ge [sflag:s13], $0x80  }
0x58: {  	s24 =	simm.s32 $0x400;
	s23 =	simm.s32 $0x200;
	[sflag:s13] =	ssyncset.done $0x0  }
.LBB2_2:
0x59: {  	s25 =	sshra.s32 s23, $0x2  }
0x5a: {  	[sflag:s13] =	ssyncadd.s32 $0xFFFFFF80;
	s23 =	smov.u32 s24;
	s26 =	sadd.s32 $0x200, s24  }
0x5b: {  	[spmem:s1] =	stream.indirect.scatter.add.f32 [tilespmem:s16], [sflag:$0x1], $0x1, s25, s15, $0xb8;
	[tilespmem:$0x5800] =	vst v63  }
0x5c: {  	p0 =	sne.s32 s24, $0x9C00;
	_ =	swait.ge [sflag:s13], $0x80  }
.Ltmp0:
0x5d: {  	[sflag:s13] =	ssyncset.done $0x0;
	(pc) =	sbr.rel @p0 .LBB2_2-.Ltmp0, $4  }
0x5e: {  	s24 =	sadd.s32 $0x2800, s25;
	[sflag:s13] =	ssyncadd.s32 $0xFFFFFF80  }
0x5f: {  	[spmem:s2] =	stream.indirect.scatter.add.f32 [tilespmem:s16], [sflag:$0x1], $0x1, s24, s15, $0xb8;
	[tilespmem:$0x5800] =	vst v63  }
0x60: {  	_ =	swait.ge [sflag:s13], $0x80  }
0x61: {  	s24 =	smov.u32 s26;
	[sflag:s13] =	ssyncset.done $0x0  }
0x62: {  	s23 =	sshra.s32 s23, $0x2;
	[sflag:s13] =	ssyncadd.s32 $0xFFFFFF80  }
0x63: {  	[spmem:s1] =	stream.indirect.scatter.add.f32 [tilespmem:s16], [sflag:$0x1], $0x1, s23, s15, $0xb8;
	[tilespmem:$0x5800] =	vst v63  }
0x64: {  	_ =	swait.ge [sflag:s13], $0x80  }
0x65: {  	[sflag:s13] =	ssyncset.done $0x0  }
0x66: {  	s23 =	sadd.s32 $0x2800, s23;
	[sflag:s13] =	ssyncadd.s32 $0xFFFFFF80  }
0x67: {  	[spmem:s2] =	stream.indirect.scatter.add.f32 [tilespmem:s16], [sflag:$0x1], $0x1, s23, s15, $0xb8;
	[tilespmem:$0x5800] =	vst v63  }
0x68: {  	_ =	swait.ge [sflag:s13], $0x80  }
0x69: {  	[sflag:s13] =	ssyncset.done $0x0  }
0x6a: {  	[sflag:s13] =	ssyncadd.s32 $0xFFFFFF80  }
0x6b: {  	[bflag:$0x0] =	sbarrier.arrive $0xFFFF  }
0x6c: {  	[hbm:s9@s19], [sflag:s17] =	dma.strided [spmem:s18@s20], $0x50, s13, $0x10   }
0x6d: {  	s22 =	sadd.s32 $0x1, s22;
	_ =	swait.ge [sflag:s13], $0x50  }
0x6e: {  	p0 =	sne.s32 s22, s11;
	[sflag:s13] =	ssyncset.done $0x0  }
.Ltmp1:
0x6f: {  	[sflag:s13] =	ssyncadd.s32 $0xFFFFFFB0;
	(pc) =	sbr.rel @p0 .LBB2_1-.Ltmp1, $4  }
0x70: {  	[hbm:s10@s19], [sflag:s17] =	dma.strided [spmem:s21@s20], $0x50, s13, $0x10   }
0x71: {  	_ =	swait.ge [sflag:s13], $0x50  }
0x72: {  	[sflag:s13] =	ssyncset.done $0x0  }
0x73: {  	[sflag:s13] =	ssyncadd.s32 $0xFFFFFFB0  }
0x74: {  	_ =	sfence.sel $0x180000  }
0x75: {  	[bflag:$0x0] =	sbarrier.arrive $0xFFFF  }
0x76: {  	p0 =	sne.s32 s3, $0x0;
	_ =	strace $0x90000047  }
0x77: {  	s0 =	sadd.s32 @!p0 $0x100000, s0;
	[bflag:$0x2] =	sbarrier.arrive $0xFFFF  }
0x78: {  	[sflag:s0] =	ssyncadd.tile.s32 @!p0 $0x1;
	_ =	shalt  }
.Lfunc_end2:
_tile_overlayer_lowered:
.L_overlay_start_2:
0x79: {  	(tag) =	ssettag $0x2  }
0x7a: {  	s0 =	rddreg [dreg:$0x0];
	s2 =	stileid.u32  }
0x7b: {  	s1 =	rddreg [dreg:$0x1];
	p0 =	sne.s32 s2, $0x0  }
0x7c: {  	s3 =	rddreg [dreg:$0x2];
	[bflag:$0x3] =	sbarrier.arrive $0xFFFF;
	s2 =	simm.s32 @!p0 $0x1C01  }
0x7d: {  	[timem:s3], [sflag:s2] =	dma.local @!p0 [hbm:s0], s1  }
0x7e: {  	s0 =	simm.s32 @!p0 $0x1  }
0x7f: {  	_ =	swait.ge @!p0 [sflag:s0], s1  }
0x80: {  	s1 =	ssub.s32 @!p0 $0x0, s1;
	[sflag:s0] =	ssyncset.done @!p0 $0x0  }
0x81: {  	[sflag:s0] =	ssyncadd.s32 @!p0 s1  }
0x82: {  	[bflag:$0x3] =	sbarrier.arrive $0xFFFF  }
0x83: {  	_ =	shalt  }

// kernel: kernel.13.cloned.1.call-start
scs
__scs_entry_jumppad:
0x0: {  	(pc) =	sbr.rel $0x88, $3  }
0x1: {  	(tag) =	ssettag $0x0;
	lr =	simm.s32 $0x1  }
0x2: {  	[smem:$0x3F93] =	sst lr;
	_ =	strace $0xD0000000  }
0x3: {  	_ = 	snop  }
0x4: {  	_ = 	snop  }
0x5: {  	_ = 	snop  }
0x6: {  	_ = 	snop  }
0x7: {  	_ = 	snop  }
__scs_overlays_trampoline_lowered:
0x8: {  	[smem:$0x3FA2] =	sst s0  }
0x9: {  	[smem:$0x3FA3] =	sst s1  }
0xa: {  	[smem:$0x3FA4] =	sst s2  }
0xb: {  	[smem:$0x3FA5] =	sst s3  }
0xc: {  	[smem:$0x3FA6] =	sst s4  }
0xd: {  	[smem:$0x3FA7] =	sst s5  }
0xe: {  	[smem:$0x3FA8] =	sst s6  }
0xf: {  	[smem:$0x3FA9] =	sst s7  }
0x10: {  	[smem:$0x3FAA] =	sst s8  }
0x11: {  	[smem:$0x3FAB] =	sst s9;
	s0 =	simm.s32 @!p0 $0x0  }
0x12: {  	s1 =	sld [smem:$0x3F91];
	s0 =	simm.s32 @p0 $0x1  }
0x13: {  	[smem:$0x3FAC] =	sst s0;
	s0 =	simm.s32 @!p1 $0x0  }
0x14: {  	s2 =	sld [smem:$0x3F90];
	s0 =	simm.s32 @p1 $0x1  }
0x15: {  	[smem:$0x3FAD] =	sst s0;
	s0 =	simm.s32 @!p2 $0x0  }
0x16: {  	s3 =	sld [smem:$0x3FDB];
	s0 =	simm.s32 @p2 $0x1  }
0x17: {  	s4 =	simm.s32 $0x1BF5;
	[smem:$0x3FAF] =	sst s0  }
0x18: {  	s0 =	sld [smem:$0x3F92];
	_ =	swait.ge [sflag:s4], $0x0  }
0x19: {  	s7 =	sld [smem:$0x3F93]  }
0x1a: {  	s8 =	sadd.s32 $0xFFFFE003, lr  }
0x1b: {  	s9 =	sadd.s32 $0xFFFFFEF7, lr;
	s5 =	simm.s32 $0xFFFFFFFF;
	p2 =	slt.u32 s8, $0xFFFFF086  }
0x1c: {  	p1 =	slt.u32 s9, $0xF7A;
	s5 =	simm.s32 @!p2 $0x0  }
0x1d: {  	s5 =	simm.s32 @p1 $0x1;
	p0 =	seq.s32 s7, s2  }
0x1e: {  	s7 =	smul.u32 @!p0 $0xF7A, s2;
	p2 =	seq.s32 @!p0 s5, $0x0  }
0x1f: {  	s9 =	smul.u32 $0xF7A, s1;
	s8 =	simm.s32 @!p0 $0x1BF5;
	p2 =	por !p2, p0  }
0x20: {  	[sflag:s8] =	ssyncset.s32 @!p0 $0xFFFFF086;
	s6 =	sadd.s32 @!p0 s3, s7;
	s7 =	simm.s32 @!p0 $0x108  }
0x21: {  	s3 =	sadd.s32 s3, s9;
	s6 =	sadd.s32 @!p0 $0x88, s6;
	s7 =	simm.s32 @p2 $0x1082  }
0x22: {  	[simem:s7], [sflag:s8] =	dma.local @!p0 [hbm:s6], $0xF7A  }
0x23: {  	s9 =	sor.u32 $0xD0000000, s2;
	s6 =	simm.s32 $0x108;
	_ =	swait.ge @!p0 [sflag:s8], $0x0  }
0x24: {  	s3 =	sadd.s32 $0x88, s3;
	s6 =	simm.s32 @!p1 $0x1082;
	[sflag:s4] =	ssyncset.s32 $0xFFFFF086  }
0x25: {  	[simem:s6], [sflag:s4] =	dma.local [hbm:s3], $0xF7A  }
0x26: {  	[smem:$0x3F93] =	sst s1;
	(tag) =	ssettag s2;
	_ =	strace s9  }
0x27: {  	s1 =	sld [smem:$0x3FA3]  }
0x28: {  	s2 =	sld [smem:$0x3FA4]  }
0x29: {  	s4 =	sld [smem:$0x3FA6]  }
0x2a: {  	p0 =	seq.s32 s5, $0x0;
	s5 =	sld [smem:$0x3FA7]  }
0x2b: {  	s6 =	sld [smem:$0x3FA8]  }
0x2c: {  	s7 =	sld [smem:$0x3FA9]  }
0x2d: {  	s3 =	simm.s32 $0x108;
	s8 =	sld [smem:$0x3FAA]  }
0x2e: {  	s3 =	simm.s32 @!p0 $0x1082;
	s9 =	sld [smem:$0x3FAB]  }
0x2f: {  	lr =	sadd.s32 s0, s3;
	s0 =	sld [smem:$0x3FA2]  }
0x30: {  	s3 =	sld [smem:$0x3FA5]  }
0x31: {  	[smem:$0x3FAE] =	sst s10  }
0x32: {  	s10 =	sld [smem:$0x3FAC];
	_ =	sdelay $0x3  }
0x33: {  	p0 =	seq.s32 s10, $0x1;
	s10 =	sld [smem:$0x3FAE];
	_ =	sdelay $0x3  }
0x34: {  	[smem:$0x3FAE] =	sst s10  }
0x35: {  	s10 =	sld [smem:$0x3FAD];
	_ =	sdelay $0x3  }
0x36: {  	p1 =	seq.s32 s10, $0x1;
	s10 =	sld [smem:$0x3FAE];
	_ =	sdelay $0x3  }
0x37: {  	[smem:$0x3FAE] =	sst s10  }
0x38: {  	s10 =	sld [smem:$0x3FAF]  }
0x39: {  	_ = 	snop;
	(pc) =	sbr.ind lr, $3  }
0x3a: {  	_ = 	snop  }
0x3b: {  	_ = 	snop  }
0x3c: {  	p2 =	seq.s32 s10, $0x1;
	s10 =	sld [smem:$0x3FAE]  }
0x3d: {  	_ =	shalt  }
0x3e: {  	_ =	shalt  }
0x3f: {  	_ =	shalt  }
0x40: {  	_ =	shalt  }
0x41: {  	_ =	shalt  }
0x42: {  	_ =	shalt  }
0x43: {  	_ =	shalt  }
0x44: {  	_ =	shalt  }
0x45: {  	_ =	shalt  }
0x46: {  	_ =	shalt  }
0x47: {  	_ =	shalt  }
0x48: {  	_ =	shalt  }
0x49: {  	_ =	shalt  }
0x4a: {  	_ =	shalt  }
0x4b: {  	_ =	shalt  }
0x4c: {  	_ =	shalt  }
0x4d: {  	_ =	shalt  }
0x4e: {  	_ =	shalt  }
0x4f: {  	_ =	shalt  }
0x50: {  	_ =	shalt  }
0x51: {  	_ =	shalt  }
0x52: {  	_ =	shalt  }
0x53: {  	_ =	shalt  }
0x54: {  	_ =	shalt  }
0x55: {  	_ =	shalt  }
0x56: {  	_ =	shalt  }
0x57: {  	_ =	shalt  }
0x58: {  	_ =	shalt  }
0x59: {  	_ =	shalt  }
0x5a: {  	_ =	shalt  }
0x5b: {  	_ =	shalt  }
0x5c: {  	_ =	shalt  }
0x5d: {  	_ =	shalt  }
0x5e: {  	_ =	shalt  }
0x5f: {  	_ =	shalt  }
0x60: {  	_ =	shalt  }
0x61: {  	_ =	shalt  }
0x62: {  	_ =	shalt  }
0x63: {  	_ =	shalt  }
0x64: {  	_ =	shalt  }
0x65: {  	_ =	shalt  }
0x66: {  	_ =	shalt  }
0x67: {  	_ =	shalt  }
0x68: {  	_ =	shalt  }
0x69: {  	_ =	shalt  }
0x6a: {  	_ =	shalt  }
0x6b: {  	_ =	shalt  }
0x6c: {  	_ =	shalt  }
0x6d: {  	_ =	shalt  }
0x6e: {  	_ =	shalt  }
0x6f: {  	_ =	shalt  }
0x70: {  	_ =	shalt  }
0x71: {  	_ =	shalt  }
0x72: {  	_ =	shalt  }
0x73: {  	_ =	shalt  }
0x74: {  	_ =	shalt  }
0x75: {  	_ =	shalt  }
0x76: {  	_ =	shalt  }
0x77: {  	_ =	shalt  }
0x78: {  	_ =	shalt  }
0x79: {  	_ =	shalt  }
0x7a: {  	_ =	shalt  }
0x7b: {  	_ =	shalt  }
0x7c: {  	_ =	shalt  }
0x7d: {  	_ =	shalt  }
0x7e: {  	_ =	shalt  }
0x7f: {  	_ =	shalt  }
0x80: {  	_ =	shalt  }
0x81: {  	_ =	shalt  }
0x82: {  	_ =	shalt  }
0x83: {  	_ =	shalt  }
0x84: {  	_ =	shalt  }
0x85: {  	_ =	shalt  }
0x86: {  	_ =	shalt  }
0x87: {  	_ =	shalt  }
.Lfunc_end0:
.L_simem_size_0:
called_computation.1_lowered:
.L_overlay_start_0:
0x88: {  	s2 =	sld [smem:$0x3FD9]  }
0x89: {  	s3 =	sld [smem:$0x3FFE];
	_ =	sdelay $0x1  }
0x8a: {  	s1 =	srdreg.scid  }
0x8b: {  	s0 =	sand.u32 $0x1, s1  }
0x8c: {  	s16 =	sshll.u32 s0, $0xA;
	s2 =	sadd.s32 s3, s2  }
0x8d: {  	s2 =	sadd.s32 s2, s16  }
0x8e: {  	[smem:$0x3FBA] =	sst s2  }
0x8f: {  	_ = 	snop  }
0x90: {  	(tm) =	ssettm $0x1  }
0x91: {  	s17 =	sld [smem:$0x3FFB];
	_ =	sdelay $0x3  }
0x92: {  	_ =	strace s17  }
0x93: {  	s2 =	sld [smem:$0x3FFC];
	_ =	sdelay $0x3  }
0x94: {  	_ =	strace s2  }
0x95: {  	s2 =	sld [smem:$0x3FFD];
	_ =	sdelay $0x3  }
0x96: {  	_ =	strace s2  }
0x97: {  	_ =	strace $0x8FFFFFFF  }
0x98: {  	s18 =	sld [smem:$0x3FDB];
	_ =	sdelay $0x1  }
0x99: {  	s19 =	simm.s32 $_scs_section_size  }
0x9a: {  	s4 =	simm.s32 $_size__tile_overlayer_lowered;
	s5 =	simm.s32 $_tile_overlayer_lowered  }
0x9b: {  	s22 =	simm.s32 $0x1BFF;
	s21 =	sshll.u32 s5, $0x1;
	s2 =	sadd.s32 s19, s18  }
0x9c: {  	s6 =	simm.s32 $0x0;
	s20 =	sshll.u32 s4, $0x1;
	s4 =	sadd.s32 s21, s2  }
0x9d: {  	[timem:s6], [sflag:s22] =	dma.local [hbm:s4], s20  }
0x9e: {  	_ =	swait.ge [sflag:s22], s20  }
0x9f: {  	s3 =	ssub.s32 $0x0, s20;
	[sflag:s22] =	ssyncset.done $0x0  }
0xa0: {  	[sflag:s22] =	ssyncadd.s32 s3;
	_ =	sdelay $0x1  }
0xa1: {  	s23 =	simm.s32 $0x1B8B  }
0xa2: {  	_ =	swait.ge [sflag:s23], $0x1  }
0xa3: {  	[sflag:s23] =	ssyncset.done $0x0  }
0xa4: {  	s25 =	simm.s32 $0x1B8E;
	s24 =	sld [smem:$0x3FFE];
	[sflag:s23] =	ssyncadd.s32 $0xFFFFFFFF  }
0xa5: {  	s26 =	simm.s32 $execute0_lowered;
	[smem:$0x3FD2] =	sst s25  }
0xa6: {  	s4 =	sshll.u32 s26, $0x1;
	_ =	strace $0x80000049;
	[dreg:$0x1] =	wrdreg $0xFFFFFFFF  }
0xa7: {  	s28 =	simm.s32 $_size_execute0_lowered;
	s2 =	sadd.s32 s2, s4;
	[dreg:$0x0] =	wrdreg $0x0  }
0xa8: {  	s4 =	sshll.u32 s28, $0x1;
	[dreg:$0x2] =	wrdreg s2  }
0xa9: {  	[dreg:$0x3] =	wrdreg s4  }
0xaa: {  	[dreg:$0x4] =	wrdreg $0xC0  }
0xab: {  	_ =	task [dreg:s6], $0x5FFFF  }
0xac: {  	[dreg:$0x1] =	wrdreg $0xFFFFFFFF  }
0xad: {  	[dreg:$0x0] =	wrdreg $0x60  }
0xae: {  	[dreg:$0x2] =	wrdreg s24  }
0xaf: {  	[dreg:$0x3] =	wrdreg $0xB0000  }
0xb0: {  	[dreg:$0x4] =	wrdreg $0x9  }
0xb1: {  	_ =	task.clear_ibuf [dreg:s6], $0x5FFFF;
	_ =	strace $0x90000049  }
0xb2: {  	s29 =	simm.s32 $0x9;
	_ =	strace $0x8000004B  }
0xb3: {  	_ =	swait.ge [sflag:s29], $0x1  }
0xb4: {  	[sflag:s29] =	ssyncadd.s32 $0xFFFFFFFF  }
0xb5: {  	_ =	strace $0x9000004B  }
0xb6: {  	_ =	sfence  }
0xb7: {  	s30 =	sld [smem:$0x0];
	_ =	sdelay $0x2  }
0xb8: {  	s31 =	sshll.u32 s1, $0xD;
	s1 =	sshrl.u32 s1, $0x2  }
0xb9: {  	s3 =	sand.u32 $0x4000, s31;
	s1 =	sadd.s32 s1, s30  }
0xba: {  	s0 =	sor.u32 s3, s0;
	s1 =	sshll.u32 s1, $0x11  }
0xbb: {  	s0 =	sor.u32 s1, s0  }
0xbc: {  	s0 =	sadd.s32 $0x8F2B, s0  }
0xbd: {  	[sflag:s0] =	ssyncadd.remote.s32 $0x1  }
0xbe: {  	_ =	sfence.sel $0xFFFF  }
0xbf: {  	[dreg:$0x0] =	wrdreg $0xFFFFFFFF;
	(pc) =	sbr.abs _section_cstart, $3  }
0xc0: {  	[dreg:$0x1] =	wrdreg $0xFFFFFFFF  }
0xc1: {  	_ =	task.clear_ibuf [dreg:s6], $0x2FFFF;
	_ =	strace $0x9FFFFFFF  }
0xc2: {  	(tm) =	ssettm $0x7FFFFFFF  }
0xc3: {  	_ =	shalt  }
tec
execute0_lowered:
.L_overlay_start_1:
0x0: {  	(tag) =	ssettag $0x1  }
0x1: {  	s6 =	rddreg [dreg:$0x0]  }
0x2: {  	s0 =	srdreg.scid;
	s2 =	rddreg [dreg:$0x1];
	s3 =	simm.s32 $0x0  }
0x3: {  	s19 =	simm.s32 $0x9000;
	s20 =	simm.s32 $0x1;
	s21 =	simm.s32 $0x2800  }
0x4: {  	s22 =	simm.s32 $0x80;
	s5 =	sand.u32 $0x1, s0;
	s0 =	stileid.u32  }
0x5: {  	s23 =	simm.s32 $0x5000;
	[smem:$0x7FF] =	sst s3;
	s8 =	smul.u32 $0x140000, s5  }
0x6: {  	s4 =	sadd.s32 $0x17400, s6;
	s1 =	sshll.u32 s5, $0x4;
	s9 =	smul.u32 $0x14000, s0  }
0x7: {  	s10 =	smul.u32 $0x50000, s0;
	s5 =	ssub.s32 $0x2, s5;
	s1 =	sor.u32 s0, s1  }
0x8: {  	s31 =	sshrl.u32 s5, $0x1;
	s7 =	smul.u32 $0x500, s1;
	s1 =	rddreg [dreg:$0x2]  }
0x9: {  	_ =	strace $0x8000004A;
	s8 =	sadd.s32 s9, s8;
	s10 =	sshrl.u32 s10, $0x2  }
0xa: {  	s9 =	ssub.s32 s5, s31;
	s8 =	sshrl.u32 s8, $0x3;
	s5 =	sadd.s32 s10, s2  }
0xb: {  	s9 =	smax.u32 s9, $0x1;
	s7 =	sadd.s32 s7, s6;
	s8 =	sadd.s32 s8, s6  }
0xc: {  	s10 =	sadd.s32 $0x2000, s5;
	s11 =	sadd.s32 $0x4000, s5;
	s12 =	sadd.s32 $0x6000, s5  }
0xd: {  	s13 =	sadd.s32 $0x8000, s5;
	s14 =	sadd.s32 $0xA000, s5;
	s15 =	sadd.s32 $0xC000, s5  }
0xe: {  	s16 =	sadd.s32 $0xE000, s5;
	s17 =	sadd.s32 $0x10000, s5;
	s18 =	sadd.s32 $0x12000, s5  }
0xf: {  	v0 =	vimm.f32 $0.0e+00;
	s6 =	sadd.s32 $0xD400, s7;
	s7 =	sadd.s32 $0x3400, s7;
	s8 =	sadd.s32 $0x3F400, s8  }
.LBB2_1:
0x10: {  	s24 =	simm.s32 $0x0;
	s25 =	simm.s32 $0x200  }
.LBB2_2:
0x11: {  	p0 =	sne.s32 s25, $0x7E00;
	[tilespmem:s24+$0x9070] =	vst v0  }
0x12: {  	[tilespmem:s24+$0x9000] =	vst v0  }
0x13: {  	[tilespmem:s24+$0x9010] =	vst v0  }
.Ltmp0:
0x14: {  	[tilespmem:s24+$0x9020] =	vst v0;
	(pc) =	sbr.rel @p0 .LBB2_2-.Ltmp0, $4  }
0x15: {  	[tilespmem:s24+$0x9030] =	vst v0  }
0x16: {  	[tilespmem:s24+$0x9040] =	vst v0  }
0x17: {  	[tilespmem:s24+$0x9050] =	vst v0  }
0x18: {  	[tilespmem:s24+$0x9060] =	vst v0;
	s24 =	sshra.s32 s25, $0x2;
	s25 =	sadd.s32 $0x200, s25  }
0x19: {  	[tilespmem:s24+$0x9070] =	vst v0  }
0x1a: {  	[tilespmem:s24+$0x9000] =	vst v0  }
0x1b: {  	[tilespmem:s24+$0x9010] =	vst v0  }
0x1c: {  	[tilespmem:s24+$0x9020] =	vst v0  }
0x1d: {  	[tilespmem:s24+$0x9030] =	vst v0  }
0x1e: {  	[tilespmem:s24+$0x9040] =	vst v0  }
0x1f: {  	[tilespmem:s24+$0x9050] =	vst v0  }
0x20: {  	[tilespmem:s24+$0x9060] =	vst v0  }
0x21: {  	[spmem:s5] =	stream.linear.scatter [tilespmem:s19], [sflag:$0x1], $0x2000, $0x38;
	[tilespmem:$0x1F000] =	vst v63  }
0x22: {  	_ =	swait.ge [sflag:s20], $0x2000  }
0x23: {  	[sflag:s20] =	ssyncset.done $0x0  }
0x24: {  	[sflag:s20] =	ssyncadd.s32 $0xFFFFE000  }
0x25: {  	[spmem:s10] =	stream.linear.scatter [tilespmem:s19], [sflag:$0x1], $0x2000, $0x38;
	[tilespmem:$0x1F000] =	vst v63  }
0x26: {  	_ =	swait.ge [sflag:s20], $0x2000  }
0x27: {  	[sflag:s20] =	ssyncset.done $0x0  }
0x28: {  	[sflag:s20] =	ssyncadd.s32 $0xFFFFE000  }
0x29: {  	[spmem:s11] =	stream.linear.scatter [tilespmem:s19], [sflag:$0x1], $0x2000, $0x38;
	[tilespmem:$0x1F000] =	vst v63  }
0x2a: {  	_ =	swait.ge [sflag:s20], $0x2000  }
0x2b: {  	[sflag:s20] =	ssyncset.done $0x0  }
0x2c: {  	[sflag:s20] =	ssyncadd.s32 $0xFFFFE000  }
0x2d: {  	[spmem:s12] =	stream.linear.scatter [tilespmem:s19], [sflag:$0x1], $0x2000, $0x38;
	[tilespmem:$0x1F000] =	vst v63  }
0x2e: {  	_ =	swait.ge [sflag:s20], $0x2000  }
0x2f: {  	[sflag:s20] =	ssyncset.done $0x0  }
0x30: {  	[sflag:s20] =	ssyncadd.s32 $0xFFFFE000  }
0x31: {  	[spmem:s13] =	stream.linear.scatter [tilespmem:s19], [sflag:$0x1], $0x2000, $0x38;
	[tilespmem:$0x1F000] =	vst v63  }
0x32: {  	_ =	swait.ge [sflag:s20], $0x2000  }
0x33: {  	[sflag:s20] =	ssyncset.done $0x0  }
0x34: {  	[sflag:s20] =	ssyncadd.s32 $0xFFFFE000  }
0x35: {  	[spmem:s14] =	stream.linear.scatter [tilespmem:s19], [sflag:$0x1], $0x2000, $0x38;
	[tilespmem:$0x1F000] =	vst v63  }
0x36: {  	_ =	swait.ge [sflag:s20], $0x2000  }
0x37: {  	[sflag:s20] =	ssyncset.done $0x0  }
0x38: {  	[sflag:s20] =	ssyncadd.s32 $0xFFFFE000  }
0x39: {  	[spmem:s15] =	stream.linear.scatter [tilespmem:s19], [sflag:$0x1], $0x2000, $0x38;
	[tilespmem:$0x1F000] =	vst v63  }
0x3a: {  	_ =	swait.ge [sflag:s20], $0x2000  }
0x3b: {  	[sflag:s20] =	ssyncset.done $0x0  }
0x3c: {  	[sflag:s20] =	ssyncadd.s32 $0xFFFFE000  }
0x3d: {  	[spmem:s16] =	stream.linear.scatter [tilespmem:s19], [sflag:$0x1], $0x2000, $0x38;
	[tilespmem:$0x1F000] =	vst v63  }
0x3e: {  	_ =	swait.ge [sflag:s20], $0x2000  }
0x3f: {  	[sflag:s20] =	ssyncset.done $0x0  }
0x40: {  	[sflag:s20] =	ssyncadd.s32 $0xFFFFE000  }
0x41: {  	[spmem:s17] =	stream.linear.scatter [tilespmem:s19], [sflag:$0x1], $0x2000, $0x38;
	[tilespmem:$0x1F000] =	vst v63  }
0x42: {  	_ =	swait.ge [sflag:s20], $0x2000  }
0x43: {  	[sflag:s20] =	ssyncset.done $0x0  }
0x44: {  	[sflag:s20] =	ssyncadd.s32 $0xFFFFE000  }
0x45: {  	[spmem:s18] =	stream.linear.scatter [tilespmem:s19], [sflag:$0x1], $0x2000, $0x38;
	[tilespmem:$0x1F000] =	vst v63  }
0x46: {  	_ =	swait.ge [sflag:s20], $0x2000  }
0x47: {  	[sflag:s20] =	ssyncset.done $0x0  }
0x48: {  	s29 =	simm.s32 $0x0;
	[sflag:s20] =	ssyncadd.s32 $0xFFFFE000  }
0x49: {  	[tilespmem:s29], [sflag:$0x1] =	stream.linear.gather [hbm4b:s6+s29], $0x2780, $0x38;
	[tilespmem:$0x1F000] =	vst v63  }
0x4a: {  	_ =	swait.ge [sflag:s20], $0x2780  }
0x4b: {  	[sflag:s20] =	ssyncset.done $0x0  }
0x4c: {  	[sflag:s20] =	ssyncadd.s32 $0xFFFFD880  }
0x4d: {  	[tilespmem:s21], [sflag:$0x1] =	stream.linear.gather [hbm4b:s7+s29], $0x2780, $0x38;
	[tilespmem:$0x1F000] =	vst v63  }
0x4e: {  	_ =	swait.ge [sflag:s20], $0x2780  }
0x4f: {  	[sflag:s20] =	ssyncset.done $0x0  }
0x50: {  	[sflag:s20] =	ssyncadd.s32 $0xFFFFD880  }
0x51: {  	s30 =	simm.s32 $0x0;
	[bflag:$0x0] =	sbarrier.arrive $0xFFFF  }
0x52: {  	[tilespmem:s23], [sflag:$0x1] =	stream.indirect.gather [hbm4b:s4+s22], $0x80, s30, s22, $0xb8;
	[tilespmem:$0x1F000] =	vst v63  }
0x53: {  	_ =	swait.ge [sflag:s20], $0x4000  }
0x54: {  	[sflag:s20] =	ssyncset.done $0x0  }
0x55: {  	s31 =	simm.s32 $0x2800;
	[sflag:s20] =	ssyncadd.s32 $0xFFFFC000  }
0x56: {  	[spmem:s2] =	stream.indirect.scatter.add.f32 [tilespmem:s23], [sflag:$0x1], $0x80, s31, s22, $0xb8;
	[tilespmem:$0x1F000] =	vst v63  }
0x57: {  	_ =	swait.ge [sflag:s20], $0x4000  }
0x58: {  	s24 =	simm.s32 $0x200;
	s25 =	simm.s32 $0x400;
	[sflag:s20] =	ssyncset.done $0x0  }
.LBB2_4:
0x59: {  	s26 =	sshra.s32 s24, $0x2  }
0x5a: {  	[sflag:s20] =	ssyncadd.s32 $0xFFFFC000;
	s24 =	smov.u32 s25;
	s28 =	sadd.s32 $0x200, s25  }
0x5b: {  	[tilespmem:s23], [sflag:$0x1] =	stream.indirect.gather [hbm4b:s4+s22], $0x80, s26, s22, $0xb8;
	[tilespmem:$0x1F000] =	vst v63  }
0x5c: {  	p0 =	sne.s32 s25, $0x9C00;
	_ =	swait.ge [sflag:s20], $0x4000  }
.Ltmp1:
0x5d: {  	[sflag:s20] =	ssyncset.done $0x0;
	(pc) =	sbr.rel @p0 .LBB2_4-.Ltmp1, $4  }
0x5e: {  	s25 =	sadd.s32 $0x2800, s26;
	[sflag:s20] =	ssyncadd.s32 $0xFFFFC000  }
0x5f: {  	[spmem:s2] =	stream.indirect.scatter.add.f32 [tilespmem:s23], [sflag:$0x1], $0x80, s25, s22, $0xb8;
	[tilespmem:$0x1F000] =	vst v63  }
0x60: {  	_ =	swait.ge [sflag:s20], $0x4000  }
0x61: {  	s25 =	smov.u32 s28;
	[sflag:s20] =	ssyncset.done $0x0  }
0x62: {  	s24 =	sshra.s32 s24, $0x2;
	[sflag:s20] =	ssyncadd.s32 $0xFFFFC000  }
0x63: {  	[tilespmem:s23], [sflag:$0x1] =	stream.indirect.gather [hbm4b:s4+s22], $0x80, s24, s22, $0xb8;
	[tilespmem:$0x1F000] =	vst v63  }
0x64: {  	_ =	swait.ge [sflag:s20], $0x4000  }
0x65: {  	[sflag:s20] =	ssyncset.done $0x0  }
0x66: {  	s24 =	sadd.s32 $0x2800, s24;
	[sflag:s20] =	ssyncadd.s32 $0xFFFFC000  }
0x67: {  	[spmem:s2] =	stream.indirect.scatter.add.f32 [tilespmem:s23], [sflag:$0x1], $0x80, s24, s22, $0xb8;
	[tilespmem:$0x1F000] =	vst v63  }
0x68: {  	_ =	swait.ge [sflag:s20], $0x4000  }
0x69: {  	s31 =	sshll.u32 s0, $0x6;
	s3 =	sadd.s32 $0x1, s3;
	[sflag:s20] =	ssyncset.done $0x0  }
0x6a: {  	s25 =	sshrl.u32 s5, $0x3;
	p0 =	sne.s32 s3, s9;
	[sflag:s20] =	ssyncadd.s32 $0xFFFFC000  }
.Ltmp2:
0x6b: {  	s24 =	sor.u32 $0x1C01, s31;
	[bflag:$0x0] =	sbarrier.arrive $0xFFFF;
	(pc) =	sbr.rel @p0 .LBB2_1-.Ltmp2, $4  }
0x6c: {  	[hbm:s8], [sflag:s24] =	dma.local [spmem:s25], $0x2800  }
0x6d: {  	_ =	swait.ge [sflag:s20], $0x2800  }
0x6e: {  	[sflag:s20] =	ssyncset.done $0x0  }
0x6f: {  	[sflag:s20] =	ssyncadd.s32 $0xFFFFD800  }
0x70: {  	_ =	sfence.sel $0x180000  }
0x71: {  	[bflag:$0x0] =	sbarrier.arrive $0xFFFF  }
0x72: {  	p0 =	sne.s32 s0, $0x0;
	_ =	strace $0x9000004A  }
0x73: {  	s0 =	sadd.s32 @!p0 $0x100000, s1;
	[bflag:$0x2] =	sbarrier.arrive $0xFFFF  }
0x74: {  	[sflag:s0] =	ssyncadd.tile.s32 @!p0 $0x1;
	_ =	shalt  }
.Lfunc_end2:
_tile_overlayer_lowered:
.L_overlay_start_2:
0x75: {  	(tag) =	ssettag $0x2  }
0x76: {  	s0 =	rddreg [dreg:$0x0];
	s2 =	stileid.u32  }
0x77: {  	s1 =	rddreg [dreg:$0x1];
	p0 =	sne.s32 s2, $0x0  }
0x78: {  	s3 =	rddreg [dreg:$0x2];
	[bflag:$0x3] =	sbarrier.arrive $0xFFFF;
	s2 =	simm.s32 @!p0 $0x1C01  }
0x79: {  	[timem:s3], [sflag:s2] =	dma.local @!p0 [hbm:s0], s1  }
0x7a: {  	s0 =	simm.s32 @!p0 $0x1  }
0x7b: {  	_ =	swait.ge @!p0 [sflag:s0], s1  }
0x7c: {  	s1 =	ssub.s32 @!p0 $0x0, s1;
	[sflag:s0] =	ssyncset.done @!p0 $0x0  }
0x7d: {  	[sflag:s0] =	ssyncadd.s32 @!p0 s1  }
0x7e: {  	[bflag:$0x3] =	sbarrier.arrive $0xFFFF  }
0x7f: {  	_ =	shalt  }

// kernel: kernel.16.cloned.1.call-start
scs
__scs_entry_jumppad:
0x0: {  	(pc) =	sbr.rel $0x88, $3  }
0x1: {  	(tag) =	ssettag $0x0;
	lr =	simm.s32 $0x1  }
0x2: {  	[smem:$0x3F93] =	sst lr;
	_ =	strace $0xD0000000  }
0x3: {  	_ = 	snop  }
0x4: {  	_ = 	snop  }
0x5: {  	_ = 	snop  }
0x6: {  	_ = 	snop  }
0x7: {  	_ = 	snop  }
__scs_overlays_trampoline_lowered:
0x8: {  	[smem:$0x3FA2] =	sst s0  }
0x9: {  	[smem:$0x3FA3] =	sst s1  }
0xa: {  	[smem:$0x3FA4] =	sst s2  }
0xb: {  	[smem:$0x3FA5] =	sst s3  }
0xc: {  	[smem:$0x3FA6] =	sst s4  }
0xd: {  	[smem:$0x3FA7] =	sst s5  }
0xe: {  	[smem:$0x3FA8] =	sst s6  }
0xf: {  	[smem:$0x3FA9] =	sst s7  }
0x10: {  	[smem:$0x3FAA] =	sst s8  }
0x11: {  	[smem:$0x3FAB] =	sst s9;
	s0 =	simm.s32 @!p0 $0x0  }
0x12: {  	s1 =	sld [smem:$0x3F91];
	s0 =	simm.s32 @p0 $0x1  }
0x13: {  	[smem:$0x3FAC] =	sst s0;
	s0 =	simm.s32 @!p1 $0x0  }
0x14: {  	s2 =	sld [smem:$0x3F90];
	s0 =	simm.s32 @p1 $0x1  }
0x15: {  	[smem:$0x3FAD] =	sst s0;
	s0 =	simm.s32 @!p2 $0x0  }
0x16: {  	s3 =	sld [smem:$0x3FDB];
	s0 =	simm.s32 @p2 $0x1  }
0x17: {  	s4 =	simm.s32 $0x1BF5;
	[smem:$0x3FAF] =	sst s0  }
0x18: {  	s0 =	sld [smem:$0x3F92];
	_ =	swait.ge [sflag:s4], $0x0  }
0x19: {  	s7 =	sld [smem:$0x3F93]  }
0x1a: {  	s8 =	sadd.s32 $0xFFFFE003, lr  }
0x1b: {  	s9 =	sadd.s32 $0xFFFFFEF7, lr;
	s5 =	simm.s32 $0xFFFFFFFF;
	p2 =	slt.u32 s8, $0xFFFFF086  }
0x1c: {  	p1 =	slt.u32 s9, $0xF7A;
	s5 =	simm.s32 @!p2 $0x0  }
0x1d: {  	s5 =	simm.s32 @p1 $0x1;
	p0 =	seq.s32 s7, s2  }
0x1e: {  	s7 =	smul.u32 @!p0 $0xF7A, s2;
	p2 =	seq.s32 @!p0 s5, $0x0  }
0x1f: {  	s9 =	smul.u32 $0xF7A, s1;
	s8 =	simm.s32 @!p0 $0x1BF5;
	p2 =	por !p2, p0  }
0x20: {  	[sflag:s8] =	ssyncset.s32 @!p0 $0xFFFFF086;
	s6 =	sadd.s32 @!p0 s3, s7;
	s7 =	simm.s32 @!p0 $0x108  }
0x21: {  	s3 =	sadd.s32 s3, s9;
	s6 =	sadd.s32 @!p0 $0x88, s6;
	s7 =	simm.s32 @p2 $0x1082  }
0x22: {  	[simem:s7], [sflag:s8] =	dma.local @!p0 [hbm:s6], $0xF7A  }
0x23: {  	s9 =	sor.u32 $0xD0000000, s2;
	s6 =	simm.s32 $0x108;
	_ =	swait.ge @!p0 [sflag:s8], $0x0  }
0x24: {  	s3 =	sadd.s32 $0x88, s3;
	s6 =	simm.s32 @!p1 $0x1082;
	[sflag:s4] =	ssyncset.s32 $0xFFFFF086  }
0x25: {  	[simem:s6], [sflag:s4] =	dma.local [hbm:s3], $0xF7A  }
0x26: {  	[smem:$0x3F93] =	sst s1;
	(tag) =	ssettag s2;
	_ =	strace s9  }
0x27: {  	s1 =	sld [smem:$0x3FA3]  }
0x28: {  	s2 =	sld [smem:$0x3FA4]  }
0x29: {  	s4 =	sld [smem:$0x3FA6]  }
0x2a: {  	p0 =	seq.s32 s5, $0x0;
	s5 =	sld [smem:$0x3FA7]  }
0x2b: {  	s6 =	sld [smem:$0x3FA8]  }
0x2c: {  	s7 =	sld [smem:$0x3FA9]  }
0x2d: {  	s3 =	simm.s32 $0x108;
	s8 =	sld [smem:$0x3FAA]  }
0x2e: {  	s3 =	simm.s32 @!p0 $0x1082;
	s9 =	sld [smem:$0x3FAB]  }
0x2f: {  	lr =	sadd.s32 s0, s3;
	s0 =	sld [smem:$0x3FA2]  }
0x30: {  	s3 =	sld [smem:$0x3FA5]  }
0x31: {  	[smem:$0x3FAE] =	sst s10  }
0x32: {  	s10 =	sld [smem:$0x3FAC];
	_ =	sdelay $0x3  }
0x33: {  	p0 =	seq.s32 s10, $0x1;
	s10 =	sld [smem:$0x3FAE];
	_ =	sdelay $0x3  }
0x34: {  	[smem:$0x3FAE] =	sst s10  }
0x35: {  	s10 =	sld [smem:$0x3FAD];
	_ =	sdelay $0x3  }
0x36: {  	p1 =	seq.s32 s10, $0x1;
	s10 =	sld [smem:$0x3FAE];
	_ =	sdelay $0x3  }
0x37: {  	[smem:$0x3FAE] =	sst s10  }
0x38: {  	s10 =	sld [smem:$0x3FAF]  }
0x39: {  	_ = 	snop;
	(pc) =	sbr.ind lr, $3  }
0x3a: {  	_ = 	snop  }
0x3b: {  	_ = 	snop  }
0x3c: {  	p2 =	seq.s32 s10, $0x1;
	s10 =	sld [smem:$0x3FAE]  }
0x3d: {  	_ =	shalt  }
0x3e: {  	_ =	shalt  }
0x3f: {  	_ =	shalt  }
0x40: {  	_ =	shalt  }
0x41: {  	_ =	shalt  }
0x42: {  	_ =	shalt  }
0x43: {  	_ =	shalt  }
0x44: {  	_ =	shalt  }
0x45: {  	_ =	shalt  }
0x46: {  	_ =	shalt  }
0x47: {  	_ =	shalt  }
0x48: {  	_ =	shalt  }
0x49: {  	_ =	shalt  }
0x4a: {  	_ =	shalt  }
0x4b: {  	_ =	shalt  }
0x4c: {  	_ =	shalt  }
0x4d: {  	_ =	shalt  }
0x4e: {  	_ =	shalt  }
0x4f: {  	_ =	shalt  }
0x50: {  	_ =	shalt  }
0x51: {  	_ =	shalt  }
0x52: {  	_ =	shalt  }
0x53: {  	_ =	shalt  }
0x54: {  	_ =	shalt  }
0x55: {  	_ =	shalt  }
0x56: {  	_ =	shalt  }
0x57: {  	_ =	shalt  }
0x58: {  	_ =	shalt  }
0x59: {  	_ =	shalt  }
0x5a: {  	_ =	shalt  }
0x5b: {  	_ =	shalt  }
0x5c: {  	_ =	shalt  }
0x5d: {  	_ =	shalt  }
0x5e: {  	_ =	shalt  }
0x5f: {  	_ =	shalt  }
0x60: {  	_ =	shalt  }
0x61: {  	_ =	shalt  }
0x62: {  	_ =	shalt  }
0x63: {  	_ =	shalt  }
0x64: {  	_ =	shalt  }
0x65: {  	_ =	shalt  }
0x66: {  	_ =	shalt  }
0x67: {  	_ =	shalt  }
0x68: {  	_ =	shalt  }
0x69: {  	_ =	shalt  }
0x6a: {  	_ =	shalt  }
0x6b: {  	_ =	shalt  }
0x6c: {  	_ =	shalt  }
0x6d: {  	_ =	shalt  }
0x6e: {  	_ =	shalt  }
0x6f: {  	_ =	shalt  }
0x70: {  	_ =	shalt  }
0x71: {  	_ =	shalt  }
0x72: {  	_ =	shalt  }
0x73: {  	_ =	shalt  }
0x74: {  	_ =	shalt  }
0x75: {  	_ =	shalt  }
0x76: {  	_ =	shalt  }
0x77: {  	_ =	shalt  }
0x78: {  	_ =	shalt  }
0x79: {  	_ =	shalt  }
0x7a: {  	_ =	shalt  }
0x7b: {  	_ =	shalt  }
0x7c: {  	_ =	shalt  }
0x7d: {  	_ =	shalt  }
0x7e: {  	_ =	shalt  }
0x7f: {  	_ =	shalt  }
0x80: {  	_ =	shalt  }
0x81: {  	_ =	shalt  }
0x82: {  	_ =	shalt  }
0x83: {  	_ =	shalt  }
0x84: {  	_ =	shalt  }
0x85: {  	_ =	shalt  }
0x86: {  	_ =	shalt  }
0x87: {  	_ =	shalt  }
.Lfunc_end0:
.L_simem_size_0:
called_computation.2_lowered:
.L_overlay_start_0:
0x88: {  	s2 =	sld [smem:$0x3FD9]  }
0x89: {  	s3 =	sld [smem:$0x3FFE];
	_ =	sdelay $0x1  }
0x8a: {  	s1 =	srdreg.scid  }
0x8b: {  	s0 =	sand.u32 $0x1, s1  }
0x8c: {  	s16 =	sshll.u32 s0, $0xA;
	s2 =	sadd.s32 s3, s2  }
0x8d: {  	s2 =	sadd.s32 s2, s16  }
0x8e: {  	[smem:$0x3FBA] =	sst s2  }
0x8f: {  	_ = 	snop  }
0x90: {  	(tm) =	ssettm $0x1  }
0x91: {  	s17 =	sld [smem:$0x3FFB];
	_ =	sdelay $0x3  }
0x92: {  	_ =	strace s17  }
0x93: {  	s2 =	sld [smem:$0x3FFC];
	_ =	sdelay $0x3  }
0x94: {  	_ =	strace s2  }
0x95: {  	s2 =	sld [smem:$0x3FFD];
	_ =	sdelay $0x3  }
0x96: {  	_ =	strace s2  }
0x97: {  	_ =	strace $0x8FFFFFFF  }
0x98: {  	s18 =	sld [smem:$0x3FDB];
	_ =	sdelay $0x1  }
0x99: {  	s19 =	simm.s32 $_scs_section_size  }
0x9a: {  	s4 =	simm.s32 $_size__tile_overlayer_lowered;
	s5 =	simm.s32 $_tile_overlayer_lowered  }
0x9b: {  	s22 =	simm.s32 $0x1BFF;
	s21 =	sshll.u32 s5, $0x1;
	s2 =	sadd.s32 s19, s18  }
0x9c: {  	s6 =	simm.s32 $0x0;
	s20 =	sshll.u32 s4, $0x1;
	s4 =	sadd.s32 s21, s2  }
0x9d: {  	[timem:s6], [sflag:s22] =	dma.local [hbm:s4], s20  }
0x9e: {  	_ =	swait.ge [sflag:s22], s20  }
0x9f: {  	s3 =	ssub.s32 $0x0, s20;
	[sflag:s22] =	ssyncset.done $0x0  }
0xa0: {  	[sflag:s22] =	ssyncadd.s32 s3;
	_ =	sdelay $0x1  }
0xa1: {  	s23 =	simm.s32 $0x1B8B  }
0xa2: {  	_ =	swait.ge [sflag:s23], $0x1  }
0xa3: {  	[sflag:s23] =	ssyncset.done $0x0  }
0xa4: {  	s25 =	simm.s32 $0x1B8E;
	s24 =	sld [smem:$0x3FFE];
	[sflag:s23] =	ssyncadd.s32 $0xFFFFFFFF  }
0xa5: {  	s26 =	simm.s32 $execute0_lowered;
	[smem:$0x3FD2] =	sst s25  }
0xa6: {  	s4 =	sshll.u32 s26, $0x1;
	_ =	strace $0x8000004C;
	[dreg:$0x1] =	wrdreg $0xFFFFFFFF  }
0xa7: {  	s28 =	simm.s32 $_size_execute0_lowered;
	s2 =	sadd.s32 s2, s4;
	[dreg:$0x0] =	wrdreg $0x0  }
0xa8: {  	s4 =	sshll.u32 s28, $0x1;
	[dreg:$0x2] =	wrdreg s2  }
0xa9: {  	[dreg:$0x3] =	wrdreg s4  }
0xaa: {  	[dreg:$0x4] =	wrdreg $0xC0  }
0xab: {  	_ =	task [dreg:s6], $0x5FFFF  }
0xac: {  	[dreg:$0x1] =	wrdreg $0xFFFFFFFF  }
0xad: {  	[dreg:$0x0] =	wrdreg $0x60  }
0xae: {  	[dreg:$0x2] =	wrdreg s24  }
0xaf: {  	[dreg:$0x3] =	wrdreg $0xB0000  }
0xb0: {  	[dreg:$0x4] =	wrdreg $0x9  }
0xb1: {  	_ =	task.clear_ibuf [dreg:s6], $0x5FFFF;
	_ =	strace $0x9000004C  }
0xb2: {  	s29 =	simm.s32 $0x9;
	_ =	strace $0x8000004E  }
0xb3: {  	_ =	swait.ge [sflag:s29], $0x1  }
0xb4: {  	[sflag:s29] =	ssyncadd.s32 $0xFFFFFFFF  }
0xb5: {  	_ =	strace $0x9000004E  }
0xb6: {  	_ =	sfence  }
0xb7: {  	s30 =	sld [smem:$0x0];
	_ =	sdelay $0x2  }
0xb8: {  	s31 =	sshll.u32 s1, $0xD;
	s1 =	sshrl.u32 s1, $0x2  }
0xb9: {  	s3 =	sand.u32 $0x4000, s31;
	s1 =	sadd.s32 s1, s30  }
0xba: {  	s0 =	sor.u32 s3, s0;
	s1 =	sshll.u32 s1, $0x11  }
0xbb: {  	s0 =	sor.u32 s1, s0  }
0xbc: {  	s0 =	sadd.s32 $0x8F2B, s0  }
0xbd: {  	[sflag:s0] =	ssyncadd.remote.s32 $0x1  }
0xbe: {  	_ =	sfence.sel $0xFFFF  }
0xbf: {  	[dreg:$0x0] =	wrdreg $0xFFFFFFFF;
	(pc) =	sbr.abs _section_cstart, $3  }
0xc0: {  	[dreg:$0x1] =	wrdreg $0xFFFFFFFF  }
0xc1: {  	_ =	task.clear_ibuf [dreg:s6], $0x2FFFF;
	_ =	strace $0x9FFFFFFF  }
0xc2: {  	(tm) =	ssettm $0x7FFFFFFF  }
0xc3: {  	_ =	shalt  }
tec
execute0_lowered:
.L_overlay_start_1:
0x0: {  	(tag) =	ssettag $0x1  }
0x1: {  	s6 =	rddreg [dreg:$0x0]  }
0x2: {  	s0 =	srdreg.scid;
	s2 =	rddreg [dreg:$0x1];
	s3 =	simm.s32 $0x0  }
0x3: {  	s19 =	simm.s32 $0x9000;
	s20 =	simm.s32 $0x1;
	s21 =	simm.s32 $0x2800  }
0x4: {  	s22 =	simm.s32 $0x80;
	s5 =	sand.u32 $0x1, s0;
	s0 =	stileid.u32  }
0x5: {  	s23 =	simm.s32 $0x5000;
	[smem:$0x7FF] =	sst s3;
	s8 =	smul.u32 $0x140000, s5  }
0x6: {  	s4 =	sadd.s32 $0x17400, s6;
	s1 =	sshll.u32 s5, $0x4;
	s9 =	smul.u32 $0x14000, s0  }
0x7: {  	s10 =	smul.u32 $0x50000, s0;
	s5 =	ssub.s32 $0x2, s5;
	s1 =	sor.u32 s0, s1  }
0x8: {  	s31 =	sshrl.u32 s5, $0x1;
	s7 =	smul.u32 $0x500, s1;
	s1 =	rddreg [dreg:$0x2]  }
0x9: {  	_ =	strace $0x8000004D;
	s8 =	sadd.s32 s9, s8;
	s10 =	sshrl.u32 s10, $0x2  }
0xa: {  	s9 =	ssub.s32 s5, s31;
	s8 =	sshrl.u32 s8, $0x3;
	s5 =	sadd.s32 s10, s2  }
0xb: {  	s9 =	smax.u32 s9, $0x1;
	s7 =	sadd.s32 s7, s6;
	s8 =	sadd.s32 s8, s6  }
0xc: {  	s10 =	sadd.s32 $0x2000, s5;
	s11 =	sadd.s32 $0x4000, s5;
	s12 =	sadd.s32 $0x6000, s5  }
0xd: {  	s13 =	sadd.s32 $0x8000, s5;
	s14 =	sadd.s32 $0xA000, s5;
	s15 =	sadd.s32 $0xC000, s5  }
0xe: {  	s16 =	sadd.s32 $0xE000, s5;
	s17 =	sadd.s32 $0x10000, s5;
	s18 =	sadd.s32 $0x12000, s5  }
0xf: {  	v0 =	vimm.f32 $0.0e+00;
	s6 =	sadd.s32 $0xD400, s7;
	s7 =	sadd.s32 $0x3400, s7;
	s8 =	sadd.s32 $0x3F400, s8  }
.LBB2_1:
0x10: {  	s24 =	simm.s32 $0x0;
	s25 =	simm.s32 $0x200  }
.LBB2_2:
0x11: {  	p0 =	sne.s32 s25, $0x7E00;
	[tilespmem:s24+$0x9070] =	vst v0  }
0x12: {  	[tilespmem:s24+$0x9000] =	vst v0  }
0x13: {  	[tilespmem:s24+$0x9010] =	vst v0  }
.Ltmp0:
0x14: {  	[tilespmem:s24+$0x9020] =	vst v0;
	(pc) =	sbr.rel @p0 .LBB2_2-.Ltmp0, $4  }
0x15: {  	[tilespmem:s24+$0x9030] =	vst v0  }
0x16: {  	[tilespmem:s24+$0x9040] =	vst v0  }
0x17: {  	[tilespmem:s24+$0x9050] =	vst v0  }
0x18: {  	[tilespmem:s24+$0x9060] =	vst v0;
	s24 =	sshra.s32 s25, $0x2;
	s25 =	sadd.s32 $0x200, s25  }
0x19: {  	[tilespmem:s24+$0x9070] =	vst v0  }
0x1a: {  	[tilespmem:s24+$0x9000] =	vst v0  }
0x1b: {  	[tilespmem:s24+$0x9010] =	vst v0  }
0x1c: {  	[tilespmem:s24+$0x9020] =	vst v0  }
0x1d: {  	[tilespmem:s24+$0x9030] =	vst v0  }
0x1e: {  	[tilespmem:s24+$0x9040] =	vst v0  }
0x1f: {  	[tilespmem:s24+$0x9050] =	vst v0  }
0x20: {  	[tilespmem:s24+$0x9060] =	vst v0  }
0x21: {  	[spmem:s5] =	stream.linear.scatter [tilespmem:s19], [sflag:$0x1], $0x2000, $0x38;
	[tilespmem:$0x1F000] =	vst v63  }
0x22: {  	_ =	swait.ge [sflag:s20], $0x2000  }
0x23: {  	[sflag:s20] =	ssyncset.done $0x0  }
0x24: {  	[sflag:s20] =	ssyncadd.s32 $0xFFFFE000  }
0x25: {  	[spmem:s10] =	stream.linear.scatter [tilespmem:s19], [sflag:$0x1], $0x2000, $0x38;
	[tilespmem:$0x1F000] =	vst v63  }
0x26: {  	_ =	swait.ge [sflag:s20], $0x2000  }
0x27: {  	[sflag:s20] =	ssyncset.done $0x0  }
0x28: {  	[sflag:s20] =	ssyncadd.s32 $0xFFFFE000  }
0x29: {  	[spmem:s11] =	stream.linear.scatter [tilespmem:s19], [sflag:$0x1], $0x2000, $0x38;
	[tilespmem:$0x1F000] =	vst v63  }
0x2a: {  	_ =	swait.ge [sflag:s20], $0x2000  }
0x2b: {  	[sflag:s20] =	ssyncset.done $0x0  }
0x2c: {  	[sflag:s20] =	ssyncadd.s32 $0xFFFFE000  }
0x2d: {  	[spmem:s12] =	stream.linear.scatter [tilespmem:s19], [sflag:$0x1], $0x2000, $0x38;
	[tilespmem:$0x1F000] =	vst v63  }
0x2e: {  	_ =	swait.ge [sflag:s20], $0x2000  }
0x2f: {  	[sflag:s20] =	ssyncset.done $0x0  }
0x30: {  	[sflag:s20] =	ssyncadd.s32 $0xFFFFE000  }
0x31: {  	[spmem:s13] =	stream.linear.scatter [tilespmem:s19], [sflag:$0x1], $0x2000, $0x38;
	[tilespmem:$0x1F000] =	vst v63  }
0x32: {  	_ =	swait.ge [sflag:s20], $0x2000  }
0x33: {  	[sflag:s20] =	ssyncset.done $0x0  }
0x34: {  	[sflag:s20] =	ssyncadd.s32 $0xFFFFE000  }
0x35: {  	[spmem:s14] =	stream.linear.scatter [tilespmem:s19], [sflag:$0x1], $0x2000, $0x38;
	[tilespmem:$0x1F000] =	vst v63  }
0x36: {  	_ =	swait.ge [sflag:s20], $0x2000  }
0x37: {  	[sflag:s20] =	ssyncset.done $0x0  }
0x38: {  	[sflag:s20] =	ssyncadd.s32 $0xFFFFE000  }
0x39: {  	[spmem:s15] =	stream.linear.scatter [tilespmem:s19], [sflag:$0x1], $0x2000, $0x38;
	[tilespmem:$0x1F000] =	vst v63  }
0x3a: {  	_ =	swait.ge [sflag:s20], $0x2000  }
0x3b: {  	[sflag:s20] =	ssyncset.done $0x0  }
0x3c: {  	[sflag:s20] =	ssyncadd.s32 $0xFFFFE000  }
0x3d: {  	[spmem:s16] =	stream.linear.scatter [tilespmem:s19], [sflag:$0x1], $0x2000, $0x38;
	[tilespmem:$0x1F000] =	vst v63  }
0x3e: {  	_ =	swait.ge [sflag:s20], $0x2000  }
0x3f: {  	[sflag:s20] =	ssyncset.done $0x0  }
0x40: {  	[sflag:s20] =	ssyncadd.s32 $0xFFFFE000  }
0x41: {  	[spmem:s17] =	stream.linear.scatter [tilespmem:s19], [sflag:$0x1], $0x2000, $0x38;
	[tilespmem:$0x1F000] =	vst v63  }
0x42: {  	_ =	swait.ge [sflag:s20], $0x2000  }
0x43: {  	[sflag:s20] =	ssyncset.done $0x0  }
0x44: {  	[sflag:s20] =	ssyncadd.s32 $0xFFFFE000  }
0x45: {  	[spmem:s18] =	stream.linear.scatter [tilespmem:s19], [sflag:$0x1], $0x2000, $0x38;
	[tilespmem:$0x1F000] =	vst v63  }
0x46: {  	_ =	swait.ge [sflag:s20], $0x2000  }
0x47: {  	[sflag:s20] =	ssyncset.done $0x0  }
0x48: {  	s29 =	simm.s32 $0x0;
	[sflag:s20] =	ssyncadd.s32 $0xFFFFE000  }
0x49: {  	[tilespmem:s29], [sflag:$0x1] =	stream.linear.gather [hbm4b:s6+s29], $0x2780, $0x38;
	[tilespmem:$0x1F000] =	vst v63  }
0x4a: {  	_ =	swait.ge [sflag:s20], $0x2780  }
0x4b: {  	[sflag:s20] =	ssyncset.done $0x0  }
0x4c: {  	[sflag:s20] =	ssyncadd.s32 $0xFFFFD880  }
0x4d: {  	[tilespmem:s21], [sflag:$0x1] =	stream.linear.gather [hbm4b:s7+s29], $0x2780, $0x38;
	[tilespmem:$0x1F000] =	vst v63  }
0x4e: {  	_ =	swait.ge [sflag:s20], $0x2780  }
0x4f: {  	[sflag:s20] =	ssyncset.done $0x0  }
0x50: {  	[sflag:s20] =	ssyncadd.s32 $0xFFFFD880  }
0x51: {  	s30 =	simm.s32 $0x0;
	[bflag:$0x0] =	sbarrier.arrive $0xFFFF  }
0x52: {  	[tilespmem:s23], [sflag:$0x1] =	stream.indirect.gather [hbm4b:s4+s22], $0x80, s30, s22, $0xb8;
	[tilespmem:$0x1F000] =	vst v63  }
0x53: {  	_ =	swait.ge [sflag:s20], $0x4000  }
0x54: {  	[sflag:s20] =	ssyncset.done $0x0  }
0x55: {  	s31 =	simm.s32 $0x2800;
	[sflag:s20] =	ssyncadd.s32 $0xFFFFC000  }
0x56: {  	[spmem:s2] =	stream.indirect.scatter.add.f32 [tilespmem:s23], [sflag:$0x1], $0x80, s31, s22, $0xb8;
	[tilespmem:$0x1F000] =	vst v63  }
0x57: {  	_ =	swait.ge [sflag:s20], $0x4000  }
0x58: {  	s24 =	simm.s32 $0x200;
	s25 =	simm.s32 $0x400;
	[sflag:s20] =	ssyncset.done $0x0  }
.LBB2_4:
0x59: {  	s26 =	sshra.s32 s24, $0x2  }
0x5a: {  	[sflag:s20] =	ssyncadd.s32 $0xFFFFC000;
	s24 =	smov.u32 s25;
	s28 =	sadd.s32 $0x200, s25  }
0x5b: {  	[tilespmem:s23], [sflag:$0x1] =	stream.indirect.gather [hbm4b:s4+s22], $0x80, s26, s22, $0xb8;
	[tilespmem:$0x1F000] =	vst v63  }
0x5c: {  	p0 =	sne.s32 s25, $0x9C00;
	_ =	swait.ge [sflag:s20], $0x4000  }
.Ltmp1:
0x5d: {  	[sflag:s20] =	ssyncset.done $0x0;
	(pc) =	sbr.rel @p0 .LBB2_4-.Ltmp1, $4  }
0x5e: {  	s25 =	sadd.s32 $0x2800, s26;
	[sflag:s20] =	ssyncadd.s32 $0xFFFFC000  }
0x5f: {  	[spmem:s2] =	stream.indirect.scatter.add.f32 [tilespmem:s23], [sflag:$0x1], $0x80, s25, s22, $0xb8;
	[tilespmem:$0x1F000] =	vst v63  }
0x60: {  	_ =	swait.ge [sflag:s20], $0x4000  }
0x61: {  	s25 =	smov.u32 s28;
	[sflag:s20] =	ssyncset.done $0x0  }
0x62: {  	s24 =	sshra.s32 s24, $0x2;
	[sflag:s20] =	ssyncadd.s32 $0xFFFFC000  }
0x63: {  	[tilespmem:s23], [sflag:$0x1] =	stream.indirect.gather [hbm4b:s4+s22], $0x80, s24, s22, $0xb8;
	[tilespmem:$0x1F000] =	vst v63  }
0x64: {  	_ =	swait.ge [sflag:s20], $0x4000  }
0x65: {  	[sflag:s20] =	ssyncset.done $0x0  }
0x66: {  	s24 =	sadd.s32 $0x2800, s24;
	[sflag:s20] =	ssyncadd.s32 $0xFFFFC000  }
0x67: {  	[spmem:s2] =	stream.indirect.scatter.add.f32 [tilespmem:s23], [sflag:$0x1], $0x80, s24, s22, $0xb8;
	[tilespmem:$0x1F000] =	vst v63  }
0x68: {  	_ =	swait.ge [sflag:s20], $0x4000  }
0x69: {  	s31 =	sshll.u32 s0, $0x6;
	s3 =	sadd.s32 $0x1, s3;
	[sflag:s20] =	ssyncset.done $0x0  }
0x6a: {  	s25 =	sshrl.u32 s5, $0x3;
	p0 =	sne.s32 s3, s9;
	[sflag:s20] =	ssyncadd.s32 $0xFFFFC000  }
.Ltmp2:
0x6b: {  	s24 =	sor.u32 $0x1C01, s31;
	[bflag:$0x0] =	sbarrier.arrive $0xFFFF;
	(pc) =	sbr.rel @p0 .LBB2_1-.Ltmp2, $4  }
0x6c: {  	[hbm:s8], [sflag:s24] =	dma.local [spmem:s25], $0x2800  }
0x6d: {  	_ =	swait.ge [sflag:s20], $0x2800  }
0x6e: {  	[sflag:s20] =	ssyncset.done $0x0  }
0x6f: {  	[sflag:s20] =	ssyncadd.s32 $0xFFFFD800  }
0x70: {  	_ =	sfence.sel $0x180000  }
0x71: {  	[bflag:$0x0] =	sbarrier.arrive $0xFFFF  }
0x72: {  	p0 =	sne.s32 s0, $0x0;
	_ =	strace $0x9000004D  }
0x73: {  	s0 =	sadd.s32 @!p0 $0x100000, s1;
	[bflag:$0x2] =	sbarrier.arrive $0xFFFF  }
0x74: {  	[sflag:s0] =	ssyncadd.tile.s32 @!p0 $0x1;
	_ =	shalt  }
.Lfunc_end2:
_tile_overlayer_lowered:
.L_overlay_start_2:
0x75: {  	(tag) =	ssettag $0x2  }
0x76: {  	s0 =	rddreg [dreg:$0x0];
	s2 =	stileid.u32  }
0x77: {  	s1 =	rddreg [dreg:$0x1];
	p0 =	sne.s32 s2, $0x0  }
0x78: {  	s3 =	rddreg [dreg:$0x2];
	[bflag:$0x3] =	sbarrier.arrive $0xFFFF;
	s2 =	simm.s32 @!p0 $0x1C01  }
0x79: {  	[timem:s3], [sflag:s2] =	dma.local @!p0 [hbm:s0], s1  }
0x7a: {  	s0 =	simm.s32 @!p0 $0x1  }
0x7b: {  	_ =	swait.ge @!p0 [sflag:s0], s1  }
0x7c: {  	s1 =	ssub.s32 @!p0 $0x0, s1;
	[sflag:s0] =	ssyncset.done @!p0 $0x0  }
0x7d: {  	[sflag:s0] =	ssyncadd.s32 @!p0 s1  }
0x7e: {  	[bflag:$0x3] =	sbarrier.arrive $0xFFFF  }
0x7f: {  	_ =	shalt  }

// kernel: kernel.19.cloned.1.call-start
scs
__scs_entry_jumppad:
0x0: {  	(pc) =	sbr.rel $0x88, $3  }
0x1: {  	(tag) =	ssettag $0x0;
	lr =	simm.s32 $0x1  }
0x2: {  	[smem:$0x3F93] =	sst lr;
	_ =	strace $0xD0000000  }
0x3: {  	_ = 	snop  }
0x4: {  	_ = 	snop  }
0x5: {  	_ = 	snop  }
0x6: {  	_ = 	snop  }
0x7: {  	_ = 	snop  }
__scs_overlays_trampoline_lowered:
0x8: {  	[smem:$0x3FA2] =	sst s0  }
0x9: {  	[smem:$0x3FA3] =	sst s1  }
0xa: {  	[smem:$0x3FA4] =	sst s2  }
0xb: {  	[smem:$0x3FA5] =	sst s3  }
0xc: {  	[smem:$0x3FA6] =	sst s4  }
0xd: {  	[smem:$0x3FA7] =	sst s5  }
0xe: {  	[smem:$0x3FA8] =	sst s6  }
0xf: {  	[smem:$0x3FA9] =	sst s7  }
0x10: {  	[smem:$0x3FAA] =	sst s8  }
0x11: {  	[smem:$0x3FAB] =	sst s9;
	s0 =	simm.s32 @!p0 $0x0  }
0x12: {  	s1 =	sld [smem:$0x3F91];
	s0 =	simm.s32 @p0 $0x1  }
0x13: {  	[smem:$0x3FAC] =	sst s0;
	s0 =	simm.s32 @!p1 $0x0  }
0x14: {  	s2 =	sld [smem:$0x3F90];
	s0 =	simm.s32 @p1 $0x1  }
0x15: {  	[smem:$0x3FAD] =	sst s0;
	s0 =	simm.s32 @!p2 $0x0  }
0x16: {  	s3 =	sld [smem:$0x3FDB];
	s0 =	simm.s32 @p2 $0x1  }
0x17: {  	s4 =	simm.s32 $0x1BF5;
	[smem:$0x3FAF] =	sst s0  }
0x18: {  	s0 =	sld [smem:$0x3F92];
	_ =	swait.ge [sflag:s4], $0x0  }
0x19: {  	s7 =	sld [smem:$0x3F93]  }
0x1a: {  	s8 =	sadd.s32 $0xFFFFE003, lr  }
0x1b: {  	s9 =	sadd.s32 $0xFFFFFEF7, lr;
	s5 =	simm.s32 $0xFFFFFFFF;
	p2 =	slt.u32 s8, $0xFFFFF086  }
0x1c: {  	p1 =	slt.u32 s9, $0xF7A;
	s5 =	simm.s32 @!p2 $0x0  }
0x1d: {  	s5 =	simm.s32 @p1 $0x1;
	p0 =	seq.s32 s7, s2  }
0x1e: {  	s7 =	smul.u32 @!p0 $0xF7A, s2;
	p2 =	seq.s32 @!p0 s5, $0x0  }
0x1f: {  	s9 =	smul.u32 $0xF7A, s1;
	s8 =	simm.s32 @!p0 $0x1BF5;
	p2 =	por !p2, p0  }
0x20: {  	[sflag:s8] =	ssyncset.s32 @!p0 $0xFFFFF086;
	s6 =	sadd.s32 @!p0 s3, s7;
	s7 =	simm.s32 @!p0 $0x108  }
0x21: {  	s3 =	sadd.s32 s3, s9;
	s6 =	sadd.s32 @!p0 $0x88, s6;
	s7 =	simm.s32 @p2 $0x1082  }
0x22: {  	[simem:s7], [sflag:s8] =	dma.local @!p0 [hbm:s6], $0xF7A  }
0x23: {  	s9 =	sor.u32 $0xD0000000, s2;
	s6 =	simm.s32 $0x108;
	_ =	swait.ge @!p0 [sflag:s8], $0x0  }
0x24: {  	s3 =	sadd.s32 $0x88, s3;
	s6 =	simm.s32 @!p1 $0x1082;
	[sflag:s4] =	ssyncset.s32 $0xFFFFF086  }
0x25: {  	[simem:s6], [sflag:s4] =	dma.local [hbm:s3], $0xF7A  }
0x26: {  	[smem:$0x3F93] =	sst s1;
	(tag) =	ssettag s2;
	_ =	strace s9  }
0x27: {  	s1 =	sld [smem:$0x3FA3]  }
0x28: {  	s2 =	sld [smem:$0x3FA4]  }
0x29: {  	s4 =	sld [smem:$0x3FA6]  }
0x2a: {  	p0 =	seq.s32 s5, $0x0;
	s5 =	sld [smem:$0x3FA7]  }
0x2b: {  	s6 =	sld [smem:$0x3FA8]  }
0x2c: {  	s7 =	sld [smem:$0x3FA9]  }
0x2d: {  	s3 =	simm.s32 $0x108;
	s8 =	sld [smem:$0x3FAA]  }
0x2e: {  	s3 =	simm.s32 @!p0 $0x1082;
	s9 =	sld [smem:$0x3FAB]  }
0x2f: {  	lr =	sadd.s32 s0, s3;
	s0 =	sld [smem:$0x3FA2]  }
0x30: {  	s3 =	sld [smem:$0x3FA5]  }
0x31: {  	[smem:$0x3FAE] =	sst s10  }
0x32: {  	s10 =	sld [smem:$0x3FAC];
	_ =	sdelay $0x3  }
0x33: {  	p0 =	seq.s32 s10, $0x1;
	s10 =	sld [smem:$0x3FAE];
	_ =	sdelay $0x3  }
0x34: {  	[smem:$0x3FAE] =	sst s10  }
0x35: {  	s10 =	sld [smem:$0x3FAD];
	_ =	sdelay $0x3  }
0x36: {  	p1 =	seq.s32 s10, $0x1;
	s10 =	sld [smem:$0x3FAE];
	_ =	sdelay $0x3  }
0x37: {  	[smem:$0x3FAE] =	sst s10  }
0x38: {  	s10 =	sld [smem:$0x3FAF]  }
0x39: {  	_ = 	snop;
	(pc) =	sbr.ind lr, $3  }
0x3a: {  	_ = 	snop  }
0x3b: {  	_ = 	snop  }
0x3c: {  	p2 =	seq.s32 s10, $0x1;
	s10 =	sld [smem:$0x3FAE]  }
0x3d: {  	_ =	shalt  }
0x3e: {  	_ =	shalt  }
0x3f: {  	_ =	shalt  }
0x40: {  	_ =	shalt  }
0x41: {  	_ =	shalt  }
0x42: {  	_ =	shalt  }
0x43: {  	_ =	shalt  }
0x44: {  	_ =	shalt  }
0x45: {  	_ =	shalt  }
0x46: {  	_ =	shalt  }
0x47: {  	_ =	shalt  }
0x48: {  	_ =	shalt  }
0x49: {  	_ =	shalt  }
0x4a: {  	_ =	shalt  }
0x4b: {  	_ =	shalt  }
0x4c: {  	_ =	shalt  }
0x4d: {  	_ =	shalt  }
0x4e: {  	_ =	shalt  }
0x4f: {  	_ =	shalt  }
0x50: {  	_ =	shalt  }
0x51: {  	_ =	shalt  }
0x52: {  	_ =	shalt  }
0x53: {  	_ =	shalt  }
0x54: {  	_ =	shalt  }
0x55: {  	_ =	shalt  }
0x56: {  	_ =	shalt  }
0x57: {  	_ =	shalt  }
0x58: {  	_ =	shalt  }
0x59: {  	_ =	shalt  }
0x5a: {  	_ =	shalt  }
0x5b: {  	_ =	shalt  }
0x5c: {  	_ =	shalt  }
0x5d: {  	_ =	shalt  }
0x5e: {  	_ =	shalt  }
0x5f: {  	_ =	shalt  }
0x60: {  	_ =	shalt  }
0x61: {  	_ =	shalt  }
0x62: {  	_ =	shalt  }
0x63: {  	_ =	shalt  }
0x64: {  	_ =	shalt  }
0x65: {  	_ =	shalt  }
0x66: {  	_ =	shalt  }
0x67: {  	_ =	shalt  }
0x68: {  	_ =	shalt  }
0x69: {  	_ =	shalt  }
0x6a: {  	_ =	shalt  }
0x6b: {  	_ =	shalt  }
0x6c: {  	_ =	shalt  }
0x6d: {  	_ =	shalt  }
0x6e: {  	_ =	shalt  }
0x6f: {  	_ =	shalt  }
0x70: {  	_ =	shalt  }
0x71: {  	_ =	shalt  }
0x72: {  	_ =	shalt  }
0x73: {  	_ =	shalt  }
0x74: {  	_ =	shalt  }
0x75: {  	_ =	shalt  }
0x76: {  	_ =	shalt  }
0x77: {  	_ =	shalt  }
0x78: {  	_ =	shalt  }
0x79: {  	_ =	shalt  }
0x7a: {  	_ =	shalt  }
0x7b: {  	_ =	shalt  }
0x7c: {  	_ =	shalt  }
0x7d: {  	_ =	shalt  }
0x7e: {  	_ =	shalt  }
0x7f: {  	_ =	shalt  }
0x80: {  	_ =	shalt  }
0x81: {  	_ =	shalt  }
0x82: {  	_ =	shalt  }
0x83: {  	_ =	shalt  }
0x84: {  	_ =	shalt  }
0x85: {  	_ =	shalt  }
0x86: {  	_ =	shalt  }
0x87: {  	_ =	shalt  }
.Lfunc_end0:
.L_simem_size_0:
called_computation.3_lowered:
.L_overlay_start_0:
0x88: {  	s2 =	sld [smem:$0x3FD9]  }
0x89: {  	s3 =	sld [smem:$0x3FFE];
	_ =	sdelay $0x1  }
0x8a: {  	s1 =	srdreg.scid  }
0x8b: {  	s0 =	sand.u32 $0x1, s1  }
0x8c: {  	s16 =	sshll.u32 s0, $0xA;
	s2 =	sadd.s32 s3, s2  }
0x8d: {  	s2 =	sadd.s32 s2, s16  }
0x8e: {  	[smem:$0x3FBA] =	sst s2  }
0x8f: {  	_ = 	snop  }
0x90: {  	(tm) =	ssettm $0x1  }
0x91: {  	s17 =	sld [smem:$0x3FFB];
	_ =	sdelay $0x3  }
0x92: {  	_ =	strace s17  }
0x93: {  	s2 =	sld [smem:$0x3FFC];
	_ =	sdelay $0x3  }
0x94: {  	_ =	strace s2  }
0x95: {  	s2 =	sld [smem:$0x3FFD];
	_ =	sdelay $0x3  }
0x96: {  	_ =	strace s2  }
0x97: {  	_ =	strace $0x8FFFFFFF  }
0x98: {  	s18 =	sld [smem:$0x3FDB];
	_ =	sdelay $0x1  }
0x99: {  	s19 =	simm.s32 $_scs_section_size  }
0x9a: {  	s4 =	simm.s32 $_size__tile_overlayer_lowered;
	s5 =	simm.s32 $_tile_overlayer_lowered  }
0x9b: {  	s22 =	simm.s32 $0x1BFF;
	s21 =	sshll.u32 s5, $0x1;
	s2 =	sadd.s32 s19, s18  }
0x9c: {  	s6 =	simm.s32 $0x0;
	s20 =	sshll.u32 s4, $0x1;
	s4 =	sadd.s32 s21, s2  }
0x9d: {  	[timem:s6], [sflag:s22] =	dma.local [hbm:s4], s20  }
0x9e: {  	_ =	swait.ge [sflag:s22], s20  }
0x9f: {  	s3 =	ssub.s32 $0x0, s20;
	[sflag:s22] =	ssyncset.done $0x0  }
0xa0: {  	[sflag:s22] =	ssyncadd.s32 s3;
	_ =	sdelay $0x1  }
0xa1: {  	s23 =	simm.s32 $0x1B8B  }
0xa2: {  	_ =	swait.ge [sflag:s23], $0x1  }
0xa3: {  	[sflag:s23] =	ssyncset.done $0x0  }
0xa4: {  	s25 =	simm.s32 $0x1B8E;
	s24 =	sld [smem:$0x3FFE];
	[sflag:s23] =	ssyncadd.s32 $0xFFFFFFFF  }
0xa5: {  	s26 =	simm.s32 $execute0_lowered;
	[smem:$0x3FD2] =	sst s25  }
0xa6: {  	s4 =	sshll.u32 s26, $0x1;
	_ =	strace $0x8000004F;
	[dreg:$0x1] =	wrdreg $0xFFFFFFFF  }
0xa7: {  	s28 =	simm.s32 $_size_execute0_lowered;
	s2 =	sadd.s32 s2, s4;
	[dreg:$0x0] =	wrdreg $0x0  }
0xa8: {  	s4 =	sshll.u32 s28, $0x1;
	[dreg:$0x2] =	wrdreg s2  }
0xa9: {  	[dreg:$0x3] =	wrdreg s4  }
0xaa: {  	[dreg:$0x4] =	wrdreg $0xC0  }
0xab: {  	_ =	task [dreg:s6], $0x5FFFF  }
0xac: {  	[dreg:$0x1] =	wrdreg $0xFFFFFFFF  }
0xad: {  	[dreg:$0x0] =	wrdreg $0x60  }
0xae: {  	[dreg:$0x2] =	wrdreg s24  }
0xaf: {  	[dreg:$0x3] =	wrdreg $0xB0000  }
0xb0: {  	[dreg:$0x4] =	wrdreg $0x9  }
0xb1: {  	_ =	task.clear_ibuf [dreg:s6], $0x5FFFF;
	_ =	strace $0x9000004F  }
0xb2: {  	s29 =	simm.s32 $0x9;
	_ =	strace $0x80000051  }
0xb3: {  	_ =	swait.ge [sflag:s29], $0x1  }
0xb4: {  	[sflag:s29] =	ssyncadd.s32 $0xFFFFFFFF  }
0xb5: {  	_ =	strace $0x90000051  }
0xb6: {  	_ =	sfence  }
0xb7: {  	s30 =	sld [smem:$0x0];
	_ =	sdelay $0x2  }
0xb8: {  	s31 =	sshll.u32 s1, $0xD;
	s1 =	sshrl.u32 s1, $0x2  }
0xb9: {  	s3 =	sand.u32 $0x4000, s31;
	s1 =	sadd.s32 s1, s30  }
0xba: {  	s0 =	sor.u32 s3, s0;
	s1 =	sshll.u32 s1, $0x11  }
0xbb: {  	s0 =	sor.u32 s1, s0  }
0xbc: {  	s0 =	sadd.s32 $0x8F2B, s0  }
0xbd: {  	[sflag:s0] =	ssyncadd.remote.s32 $0x1  }
0xbe: {  	_ =	sfence.sel $0xFFFF  }
0xbf: {  	[dreg:$0x0] =	wrdreg $0xFFFFFFFF;
	(pc) =	sbr.abs _section_cstart, $3  }
0xc0: {  	[dreg:$0x1] =	wrdreg $0xFFFFFFFF  }
0xc1: {  	_ =	task.clear_ibuf [dreg:s6], $0x2FFFF;
	_ =	strace $0x9FFFFFFF  }
0xc2: {  	(tm) =	ssettm $0x7FFFFFFF  }
0xc3: {  	_ =	shalt  }
tec
execute0_lowered:
.L_overlay_start_1:
0x0: {  	(tag) =	ssettag $0x1  }
0x1: {  	s6 =	rddreg [dreg:$0x0]  }
0x2: {  	s0 =	srdreg.scid;
	s2 =	rddreg [dreg:$0x1];
	s3 =	simm.s32 $0x0  }
0x3: {  	s19 =	simm.s32 $0x9000;
	s20 =	simm.s32 $0x1;
	s21 =	simm.s32 $0x2800  }
0x4: {  	s22 =	simm.s32 $0x80;
	s5 =	sand.u32 $0x1, s0;
	s0 =	stileid.u32  }
0x5: {  	s23 =	simm.s32 $0x5000;
	[smem:$0x7FF] =	sst s3;
	s8 =	smul.u32 $0x140000, s5  }
0x6: {  	s4 =	sadd.s32 $0x17400, s6;
	s1 =	sshll.u32 s5, $0x4;
	s9 =	smul.u32 $0x14000, s0  }
0x7: {  	s10 =	smul.u32 $0x50000, s0;
	s5 =	ssub.s32 $0x2, s5;
	s1 =	sor.u32 s0, s1  }
0x8: {  	s31 =	sshrl.u32 s5, $0x1;
	s7 =	smul.u32 $0x500, s1;
	s1 =	rddreg [dreg:$0x2]  }
0x9: {  	_ =	strace $0x80000050;
	s8 =	sadd.s32 s9, s8;
	s10 =	sshrl.u32 s10, $0x2  }
0xa: {  	s9 =	ssub.s32 s5, s31;
	s8 =	sshrl.u32 s8, $0x3;
	s5 =	sadd.s32 s10, s2  }
0xb: {  	s9 =	smax.u32 s9, $0x1;
	s7 =	sadd.s32 s7, s6;
	s8 =	sadd.s32 s8, s6  }
0xc: {  	s10 =	sadd.s32 $0x2000, s5;
	s11 =	sadd.s32 $0x4000, s5;
	s12 =	sadd.s32 $0x6000, s5  }
0xd: {  	s13 =	sadd.s32 $0x8000, s5;
	s14 =	sadd.s32 $0xA000, s5;
	s15 =	sadd.s32 $0xC000, s5  }
0xe: {  	s16 =	sadd.s32 $0xE000, s5;
	s17 =	sadd.s32 $0x10000, s5;
	s18 =	sadd.s32 $0x12000, s5  }
0xf: {  	v0 =	vimm.f32 $0.0e+00;
	s6 =	sadd.s32 $0xD400, s7;
	s7 =	sadd.s32 $0x3400, s7;
	s8 =	sadd.s32 $0x3F400, s8  }
.LBB2_1:
0x10: {  	s24 =	simm.s32 $0x0;
	s25 =	simm.s32 $0x200  }
.LBB2_2:
0x11: {  	p0 =	sne.s32 s25, $0x7E00;
	[tilespmem:s24+$0x9070] =	vst v0  }
0x12: {  	[tilespmem:s24+$0x9000] =	vst v0  }
0x13: {  	[tilespmem:s24+$0x9010] =	vst v0  }
.Ltmp0:
0x14: {  	[tilespmem:s24+$0x9020] =	vst v0;
	(pc) =	sbr.rel @p0 .LBB2_2-.Ltmp0, $4  }
0x15: {  	[tilespmem:s24+$0x9030] =	vst v0  }
0x16: {  	[tilespmem:s24+$0x9040] =	vst v0  }
0x17: {  	[tilespmem:s24+$0x9050] =	vst v0  }
0x18: {  	[tilespmem:s24+$0x9060] =	vst v0;
	s24 =	sshra.s32 s25, $0x2;
	s25 =	sadd.s32 $0x200, s25  }
0x19: {  	[tilespmem:s24+$0x9070] =	vst v0  }
0x1a: {  	[tilespmem:s24+$0x9000] =	vst v0  }
0x1b: {  	[tilespmem:s24+$0x9010] =	vst v0  }
0x1c: {  	[tilespmem:s24+$0x9020] =	vst v0  }
0x1d: {  	[tilespmem:s24+$0x9030] =	vst v0  }
0x1e: {  	[tilespmem:s24+$0x9040] =	vst v0  }
0x1f: {  	[tilespmem:s24+$0x9050] =	vst v0  }
0x20: {  	[tilespmem:s24+$0x9060] =	vst v0  }
0x21: {  	[spmem:s5] =	stream.linear.scatter [tilespmem:s19], [sflag:$0x1], $0x2000, $0x38;
	[tilespmem:$0x1F000] =	vst v63  }
0x22: {  	_ =	swait.ge [sflag:s20], $0x2000  }
0x23: {  	[sflag:s20] =	ssyncset.done $0x0  }
0x24: {  	[sflag:s20] =	ssyncadd.s32 $0xFFFFE000  }
0x25: {  	[spmem:s10] =	stream.linear.scatter [tilespmem:s19], [sflag:$0x1], $0x2000, $0x38;
	[tilespmem:$0x1F000] =	vst v63  }
0x26: {  	_ =	swait.ge [sflag:s20], $0x2000  }
0x27: {  	[sflag:s20] =	ssyncset.done $0x0  }
0x28: {  	[sflag:s20] =	ssyncadd.s32 $0xFFFFE000  }
0x29: {  	[spmem:s11] =	stream.linear.scatter [tilespmem:s19], [sflag:$0x1], $0x2000, $0x38;
	[tilespmem:$0x1F000] =	vst v63  }
0x2a: {  	_ =	swait.ge [sflag:s20], $0x2000  }
0x2b: {  	[sflag:s20] =	ssyncset.done $0x0  }
0x2c: {  	[sflag:s20] =	ssyncadd.s32 $0xFFFFE000  }
0x2d: {  	[spmem:s12] =	stream.linear.scatter [tilespmem:s19], [sflag:$0x1], $0x2000, $0x38;
	[tilespmem:$0x1F000] =	vst v63  }
0x2e: {  	_ =	swait.ge [sflag:s20], $0x2000  }
0x2f: {  	[sflag:s20] =	ssyncset.done $0x0  }
0x30: {  	[sflag:s20] =	ssyncadd.s32 $0xFFFFE000  }
0x31: {  	[spmem:s13] =	stream.linear.scatter [tilespmem:s19], [sflag:$0x1], $0x2000, $0x38;
	[tilespmem:$0x1F000] =	vst v63  }
0x32: {  	_ =	swait.ge [sflag:s20], $0x2000  }
0x33: {  	[sflag:s20] =	ssyncset.done $0x0  }
0x34: {  	[sflag:s20] =	ssyncadd.s32 $0xFFFFE000  }
0x35: {  	[spmem:s14] =	stream.linear.scatter [tilespmem:s19], [sflag:$0x1], $0x2000, $0x38;
	[tilespmem:$0x1F000] =	vst v63  }
0x36: {  	_ =	swait.ge [sflag:s20], $0x2000  }
0x37: {  	[sflag:s20] =	ssyncset.done $0x0  }
0x38: {  	[sflag:s20] =	ssyncadd.s32 $0xFFFFE000  }
0x39: {  	[spmem:s15] =	stream.linear.scatter [tilespmem:s19], [sflag:$0x1], $0x2000, $0x38;
	[tilespmem:$0x1F000] =	vst v63  }
0x3a: {  	_ =	swait.ge [sflag:s20], $0x2000  }
0x3b: {  	[sflag:s20] =	ssyncset.done $0x0  }
0x3c: {  	[sflag:s20] =	ssyncadd.s32 $0xFFFFE000  }
0x3d: {  	[spmem:s16] =	stream.linear.scatter [tilespmem:s19], [sflag:$0x1], $0x2000, $0x38;
	[tilespmem:$0x1F000] =	vst v63  }
0x3e: {  	_ =	swait.ge [sflag:s20], $0x2000  }
0x3f: {  	[sflag:s20] =	ssyncset.done $0x0  }
0x40: {  	[sflag:s20] =	ssyncadd.s32 $0xFFFFE000  }
0x41: {  	[spmem:s17] =	stream.linear.scatter [tilespmem:s19], [sflag:$0x1], $0x2000, $0x38;
	[tilespmem:$0x1F000] =	vst v63  }
0x42: {  	_ =	swait.ge [sflag:s20], $0x2000  }
0x43: {  	[sflag:s20] =	ssyncset.done $0x0  }
0x44: {  	[sflag:s20] =	ssyncadd.s32 $0xFFFFE000  }
0x45: {  	[spmem:s18] =	stream.linear.scatter [tilespmem:s19], [sflag:$0x1], $0x2000, $0x38;
	[tilespmem:$0x1F000] =	vst v63  }
0x46: {  	_ =	swait.ge [sflag:s20], $0x2000  }
0x47: {  	[sflag:s20] =	ssyncset.done $0x0  }
0x48: {  	s29 =	simm.s32 $0x0;
	[sflag:s20] =	ssyncadd.s32 $0xFFFFE000  }
0x49: {  	[tilespmem:s29], [sflag:$0x1] =	stream.linear.gather [hbm4b:s6+s29], $0x2780, $0x38;
	[tilespmem:$0x1F000] =	vst v63  }
0x4a: {  	_ =	swait.ge [sflag:s20], $0x2780  }
0x4b: {  	[sflag:s20] =	ssyncset.done $0x0  }
0x4c: {  	[sflag:s20] =	ssyncadd.s32 $0xFFFFD880  }
0x4d: {  	[tilespmem:s21], [sflag:$0x1] =	stream.linear.gather [hbm4b:s7+s29], $0x2780, $0x38;
	[tilespmem:$0x1F000] =	vst v63  }
0x4e: {  	_ =	swait.ge [sflag:s20], $0x2780  }
0x4f: {  	[sflag:s20] =	ssyncset.done $0x0  }
0x50: {  	[sflag:s20] =	ssyncadd.s32 $0xFFFFD880  }
0x51: {  	s30 =	simm.s32 $0x0;
	[bflag:$0x0] =	sbarrier.arrive $0xFFFF  }
0x52: {  	[tilespmem:s23], [sflag:$0x1] =	stream.indirect.gather [hbm4b:s4+s22], $0x80, s30, s22, $0xb8;
	[tilespmem:$0x1F000] =	vst v63  }
0x53: {  	_ =	swait.ge [sflag:s20], $0x4000  }
0x54: {  	[sflag:s20] =	ssyncset.done $0x0  }
0x55: {  	s31 =	simm.s32 $0x2800;
	[sflag:s20] =	ssyncadd.s32 $0xFFFFC000  }
0x56: {  	[spmem:s2] =	stream.indirect.scatter.add.f32 [tilespmem:s23], [sflag:$0x1], $0x80, s31, s22, $0xb8;
	[tilespmem:$0x1F000] =	vst v63  }
0x57: {  	_ =	swait.ge [sflag:s20], $0x4000  }
0x58: {  	s24 =	simm.s32 $0x200;
	s25 =	simm.s32 $0x400;
	[sflag:s20] =	ssyncset.done $0x0  }
.LBB2_4:
0x59: {  	s26 =	sshra.s32 s24, $0x2  }
0x5a: {  	[sflag:s20] =	ssyncadd.s32 $0xFFFFC000;
	s24 =	smov.u32 s25;
	s28 =	sadd.s32 $0x200, s25  }
0x5b: {  	[tilespmem:s23], [sflag:$0x1] =	stream.indirect.gather [hbm4b:s4+s22], $0x80, s26, s22, $0xb8;
	[tilespmem:$0x1F000] =	vst v63  }
0x5c: {  	p0 =	sne.s32 s25, $0x9C00;
	_ =	swait.ge [sflag:s20], $0x4000  }
.Ltmp1:
0x5d: {  	[sflag:s20] =	ssyncset.done $0x0;
	(pc) =	sbr.rel @p0 .LBB2_4-.Ltmp1, $4  }
0x5e: {  	s25 =	sadd.s32 $0x2800, s26;
	[sflag:s20] =	ssyncadd.s32 $0xFFFFC000  }
0x5f: {  	[spmem:s2] =	stream.indirect.scatter.add.f32 [tilespmem:s23], [sflag:$0x1], $0x80, s25, s22, $0xb8;
	[tilespmem:$0x1F000] =	vst v63  }
0x60: {  	_ =	swait.ge [sflag:s20], $0x4000  }
0x61: {  	s25 =	smov.u32 s28;
	[sflag:s20] =	ssyncset.done $0x0  }
0x62: {  	s24 =	sshra.s32 s24, $0x2;
	[sflag:s20] =	ssyncadd.s32 $0xFFFFC000  }
0x63: {  	[tilespmem:s23], [sflag:$0x1] =	stream.indirect.gather [hbm4b:s4+s22], $0x80, s24, s22, $0xb8;
	[tilespmem:$0x1F000] =	vst v63  }
0x64: {  	_ =	swait.ge [sflag:s20], $0x4000  }
0x65: {  	[sflag:s20] =	ssyncset.done $0x0  }
0x66: {  	s24 =	sadd.s32 $0x2800, s24;
	[sflag:s20] =	ssyncadd.s32 $0xFFFFC000  }
0x67: {  	[spmem:s2] =	stream.indirect.scatter.add.f32 [tilespmem:s23], [sflag:$0x1], $0x80, s24, s22, $0xb8;
	[tilespmem:$0x1F000] =	vst v63  }
0x68: {  	_ =	swait.ge [sflag:s20], $0x4000  }
0x69: {  	s31 =	sshll.u32 s0, $0x6;
	s3 =	sadd.s32 $0x1, s3;
	[sflag:s20] =	ssyncset.done $0x0  }
0x6a: {  	s25 =	sshrl.u32 s5, $0x3;
	p0 =	sne.s32 s3, s9;
	[sflag:s20] =	ssyncadd.s32 $0xFFFFC000  }
.Ltmp2:
0x6b: {  	s24 =	sor.u32 $0x1C01, s31;
	[bflag:$0x0] =	sbarrier.arrive $0xFFFF;
	(pc) =	sbr.rel @p0 .LBB2_1-.Ltmp2, $4  }
0x6c: {  	[hbm:s8], [sflag:s24] =	dma.local [spmem:s25], $0x2800  }
0x6d: {  	_ =	swait.ge [sflag:s20], $0x2800  }
0x6e: {  	[sflag:s20] =	ssyncset.done $0x0  }
0x6f: {  	[sflag:s20] =	ssyncadd.s32 $0xFFFFD800  }
0x70: {  	_ =	sfence.sel $0x180000  }
0x71: {  	[bflag:$0x0] =	sbarrier.arrive $0xFFFF  }
0x72: {  	p0 =	sne.s32 s0, $0x0;
	_ =	strace $0x90000050  }
0x73: {  	s0 =	sadd.s32 @!p0 $0x100000, s1;
	[bflag:$0x2] =	sbarrier.arrive $0xFFFF  }
0x74: {  	[sflag:s0] =	ssyncadd.tile.s32 @!p0 $0x1;
	_ =	shalt  }
.Lfunc_end2:
_tile_overlayer_lowered:
.L_overlay_start_2:
0x75: {  	(tag) =	ssettag $0x2  }
0x76: {  	s0 =	rddreg [dreg:$0x0];
	s2 =	stileid.u32  }
0x77: {  	s1 =	rddreg [dreg:$0x1];
	p0 =	sne.s32 s2, $0x0  }
0x78: {  	s3 =	rddreg [dreg:$0x2];
	[bflag:$0x3] =	sbarrier.arrive $0xFFFF;
	s2 =	simm.s32 @!p0 $0x1C01  }
0x79: {  	[timem:s3], [sflag:s2] =	dma.local @!p0 [hbm:s0], s1  }
0x7a: {  	s0 =	simm.s32 @!p0 $0x1  }
0x7b: {  	_ =	swait.ge @!p0 [sflag:s0], s1  }
0x7c: {  	s1 =	ssub.s32 @!p0 $0x0, s1;
	[sflag:s0] =	ssyncset.done @!p0 $0x0  }
0x7d: {  	[sflag:s0] =	ssyncadd.s32 @!p0 s1  }
0x7e: {  	[bflag:$0x3] =	sbarrier.arrive $0xFFFF  }
0x7f: {  	_ =	shalt  }

</sc_bundles>
